<compile_context>
chip_gen: v7x
topology: tpu7x:2x2x1
jax: 0.10.2.dev20260603
libtpu: 0.0.44.dev20260713+nightly
codegen_flags: <defaults>
</compile_context>

<pallas_src>
import functools

import jax
import jax.numpy as jnp
from jax import lax
from jax.experimental import pallas as pl
from jax.experimental.pallas import tpu as pltpu
from jax.experimental.pallas import tpu_sc as plsc

N = 10000
E = 320000
D_IN = 128
D_OUT = 128
HALF = 64
NC = 2
NS = 16
EPT = E // NS
K = 80
NBLK = EPT // K
RPT = N // NS
CPH = HALF // 16


def _mm_body(x_ref, w_ref, o_ref):
    o_ref[0] = jnp.dot(x_ref[...], w_ref[0], preferred_element_type=jnp.float32)


def _support_halves(x, Wt):
    R = 1000
    return pl.pallas_call(
        _mm_body,
        grid=(NC, N // R),
        in_specs=[
            pl.BlockSpec((R, D_IN), lambda c, r: (r, 0)),
            pl.BlockSpec((1, D_IN, HALF), lambda c, r: (c, 0, 0)),
        ],
        out_specs=pl.BlockSpec((1, R, HALF), lambda c, r: (c, r, 0)),
        out_shape=jax.ShapeDtypeStruct((NC, N, HALF), jnp.float32),
    )(x, Wt)


def _sc_spmm(table, row2, col2, adj2, b2):
    mesh = plsc.VectorSubcoreMesh(core_axis_name="c", subcore_axis_name="s")

    @functools.partial(
        pl.kernel,
        out_type=jax.ShapeDtypeStruct((N, NC, HALF), jnp.float32),
        mesh=mesh,
        scratch_types=[
            pltpu.VMEM_SHARED((N, HALF), jnp.float32),
            pltpu.VMEM((NBLK, K), jnp.int32),
            pltpu.VMEM((NBLK, K), jnp.int32),
            pltpu.VMEM((NBLK, K), jnp.float32),
            pltpu.VMEM((4, K, HALF), jnp.float32),
            pltpu.VMEM((25, HALF), jnp.float32),
            pltpu.VMEM((HALF,), jnp.float32),
            pltpu.SemaphoreType.DMA,
            pltpu.SemaphoreType.DMA,
        ],
        compiler_params=pltpu.CompilerParams(needs_layout_passes=False,
                                             use_tc_tiling_on_sc=False),
    )
    def k(table_h, row_h, col_h, adj_h, b2_h, out_h,
          acc, col_t, row_t, adj_t, rows_b, bbuf, bvec, gsem, ssem):
        cid = lax.axis_index("c")
        sid = lax.axis_index("s")

        tb = sid * NBLK
        pltpu.sync_copy(col_h.at[pl.ds(tb, NBLK)], col_t)
        pltpu.sync_copy(row_h.at[pl.ds(tb, NBLK)], row_t)
        pltpu.sync_copy(adj_h.at[pl.ds(tb, NBLK)], adj_t)

        coff = cid * N

        def adjblk(bk, carry):
            for j in range(K // 16):
                sl = pl.ds(j * 16, 16)
                col_t[bk, sl] = col_t[bk, sl] + coff
            return carry

        lax.fori_loop(0, NBLK, adjblk, 0)

        pltpu.sync_copy(b2_h.at[cid], bvec)

        def initrow(r, carry):
            for p in range(CPH):
                sl = pl.ds(p * 16, 16)
                bbuf[r, sl] = bvec[sl]
            return carry

        lax.fori_loop(0, 25, initrow, 0)
        for q in range(25):
            pltpu.sync_copy(bbuf, acc.at[pl.ds(sid * RPT + q * 25, 25)])
        plsc.subcore_barrier()

        def gissue(i, s):
            pltpu.async_copy(table_h.at[col_t.at[i]], rows_b.at[s], gsem)

        def gwait(i, s):
            pltpu.make_async_copy(table_h.at[col_t.at[i]], rows_b.at[s],
                                  gsem).wait()

        def sissue(i, s):
            pltpu.async_copy(rows_b.at[s], acc.at[row_t.at[i]], ssem, add=True)

        def swait(i, s):
            pltpu.make_async_copy(rows_b.at[s], acc.at[row_t.at[i]],
                                  ssem).wait()

        gissue(0, 0)
        gissue(1, 1)
        gissue(2, 2)

        def blk(i, carry):
            s = lax.rem(i, 4)
            gwait(i, s)

            @pl.when(i > 0)
            def _():
                swait(i - 1, lax.rem(i + 3, 4))

            @pl.when(i < NBLK - 3)
            def _():
                gissue(i + 3, lax.rem(i + 3, 4))

            def scale(e8, c2):
                for u in range(8):
                    e = e8 * 8 + u
                    av = plsc.load_gather(
                        adj_t, [jnp.full((16,), i, jnp.int32),
                                jnp.full((16,), e, jnp.int32)])
                    for p in range(CPH):
                        sl = pl.ds(p * 16, 16)
                        rows_b[s, e, sl] = rows_b[s, e, sl] * av
                return c2

            lax.fori_loop(0, K // 8, scale, 0)
            sissue(i, s)
            return carry

        lax.fori_loop(0, NBLK, blk, 0)
        swait(NBLK - 1, lax.rem(NBLK - 1, 4))

        plsc.subcore_barrier()
        pltpu.sync_copy(acc.at[pl.ds(sid * RPT, RPT)],
                        out_h.at[pl.ds(sid * RPT, RPT), cid])

    return k(table, row2, col2, adj2, b2)


def kernel(x, adj_values, edge_index, W, b):
    Wt = W.reshape(D_IN, NC, HALF).transpose(1, 0, 2)
    sup = _support_halves(x, Wt).reshape(NC * N, HALF)
    out = _sc_spmm(sup, edge_index[0].reshape(E // K, K),
                   edge_index[1].reshape(E // K, K),
                   adj_values.reshape(E // K, K),
                   b.reshape(NC, HALF))
    return out.reshape(N, D_OUT)

# --- scband reference (transcript-rebuilt; emitter-appended) ---
"""Pipeline reference for scband-graph-convolution-11493332484390 (READ-ONLY COPY).

The authoritative reference and input builder live on the scoring server;
editing this copy changes nothing except your own understanding.
"""

import jax, jax.numpy as jnp
import numpy as np

N = 10000
E = 320000
D_IN = 128
D_OUT = 128


def setup_inputs(seed: int = 0) -> dict:
    key = jax.random.key(seed)
    k1, k2, k3, k4, k5 = jax.random.split(key, 5)
    x = jax.random.normal(k1, (N, D_IN), dtype=jnp.float32)
    edge_index = jax.random.randint(k2, (2, E), 0, N, dtype=jnp.int32)
    adj_values = jax.random.uniform(k3, (E,), dtype=jnp.float32)
    stdv = 1.0 / np.sqrt(D_OUT)
    W = jax.random.uniform(k4, (D_IN, D_OUT), minval=-stdv, maxval=stdv, dtype=jnp.float32)
    b = jax.random.uniform(k5, (D_OUT,), minval=-stdv, maxval=stdv, dtype=jnp.float32)
    return {"x": x, "adj_values": adj_values, "edge_index": edge_index, "W": W, "b": b}


def reference(x, adj_values, edge_index, W, b):
    # support = input @ weight
    support = x @ W
    # sparse adj @ support, adj given in COO form:
    # row = edge_index[0], col = edge_index[1], values = adj_values
    # out[row] += adj_values * support[col]
    row = edge_index[0]
    col = edge_index[1]
    msgs = adj_values[:, None] * jnp.take(support, col, axis=0)
    out = jax.ops.segment_sum(msgs, row, num_segments=N)
    return out + b

if __name__ == "__main__":
    import jax
    _d = setup_inputs()
    print(jax.jit(kernel)(*tuple(_d.values())))

</pallas_src>

<mosaic_0001>
#map = affine_map<(d0, d1) -> (0, 0)>
#map1 = affine_map<(d0, d1) -> (0, 0, 0)>
module attributes {stable_mosaic.version = 14 : i64} {
  func.func @k(%arg0: i32, %arg1: i32, %arg2: memref<20000x64xf32, #tpu.memory_space<hbm>>, %arg3: memref<4000x80xi32, #tpu.memory_space<hbm>>, %arg4: memref<4000x80xi32, #tpu.memory_space<hbm>>, %arg5: memref<4000x80xf32, #tpu.memory_space<hbm>>, %arg6: memref<2x64xf32, #tpu.memory_space<hbm>>, %arg7: memref<10000x2x64xf32, #tpu.memory_space<hbm>>, %arg8: memref<10000x64xf32, #tpu.memory_space<vmem_shared>>, %arg9: memref<250x80xi32, #tpu.memory_space<vmem>>, %arg10: memref<250x80xi32, #tpu.memory_space<vmem>>, %arg11: memref<250x80xf32, #tpu.memory_space<vmem>>, %arg12: memref<4x80x64xf32, #tpu.memory_space<vmem>>, %arg13: memref<25x64xf32, #tpu.memory_space<vmem>>, %arg14: memref<64xf32, #tpu.memory_space<vmem>>, %arg15: memref<!tpu.dma_semaphore, #tpu.memory_space<semaphore_mem>>, %arg16: memref<!tpu.dma_semaphore, #tpu.memory_space<semaphore_mem>>) attributes {dimension_semantics = [#tpu.dimension_semantics<core_parallel>, #tpu.dimension_semantics<subcore_parallel>], iteration_bounds = array<i64: 2, 16>, scalar_prefetch = 0 : i64, scratch_operands = 9 : i64, tpu.core_type = #tpu.core_type<sc_vector_subcore>, window_params = [{transform_indices = #map}, {transform_indices = #map}, {transform_indices = #map}, {transform_indices = #map}, {transform_indices = #map}, {transform_indices = #map1}]} {
    %mul3A = arith.constant 250 : i32
    %mul3A_0 = arith.muli %arg1, %mul3A : i32
    "tpu.region"() ({
      %run_scoped3A = tpu.sem_alloc : memref<!tpu.dma_semaphore, #tpu.memory_space<semaphore_mem>>
      %dma_start3A_171 = arith.constant 0 : i32
      %dma_start3A_172 = tpu.memref_slice %arg4[%mul3A_0, %dma_start3A_171] : memref<4000x80xi32, #tpu.memory_space<hbm>> -> memref<250x80xi32, #tpu.memory_space<hbm>>
      %dma_start3A_173 = arith.constant 0 : i32
      %dma_start3A_174 = tpu.memref_slice %arg4[%mul3A_0, %dma_start3A_173] : memref<4000x80xi32, #tpu.memory_space<hbm>> -> memref<250x80xi32, #tpu.memory_space<hbm>>
      tpu.enqueue_dma source(%dma_start3A_174 : memref<250x80xi32, #tpu.memory_space<hbm>>) target(%arg9 : memref<250x80xi32, #tpu.memory_space<vmem>>) target_semaphore(%run_scoped3A : memref<!tpu.dma_semaphore, #tpu.memory_space<semaphore_mem>>)
      %dma_wait3A_175 = arith.constant 0 : i32
      %dma_wait3A_176 = tpu.memref_slice %arg4[%mul3A_0, %dma_wait3A_175] : memref<4000x80xi32, #tpu.memory_space<hbm>> -> memref<250x80xi32, #tpu.memory_space<hbm>>
      %dma_wait3A_177 = arith.constant 0 : i32
      %dma_wait3A_178 = tpu.memref_slice %arg4[%mul3A_0, %dma_wait3A_177] : memref<4000x80xi32, #tpu.memory_space<hbm>> -> memref<250x80xi32, #tpu.memory_space<hbm>>
      tpu.wait_dma2 semaphore(%run_scoped3A : memref<!tpu.dma_semaphore, #tpu.memory_space<semaphore_mem>>) src(%dma_wait3A_178 : memref<250x80xi32, #tpu.memory_space<hbm>>) dst(%arg9 : memref<250x80xi32, #tpu.memory_space<vmem>>)
      tpu.yield
    }) : () -> ()
    "tpu.region"() ({
      %run_scoped3A = tpu.sem_alloc : memref<!tpu.dma_semaphore, #tpu.memory_space<semaphore_mem>>
      %dma_start3A_171 = arith.constant 0 : i32
      %dma_start3A_172 = tpu.memref_slice %arg3[%mul3A_0, %dma_start3A_171] : memref<4000x80xi32, #tpu.memory_space<hbm>> -> memref<250x80xi32, #tpu.memory_space<hbm>>
      %dma_start3A_173 = arith.constant 0 : i32
      %dma_start3A_174 = tpu.memref_slice %arg3[%mul3A_0, %dma_start3A_173] : memref<4000x80xi32, #tpu.memory_space<hbm>> -> memref<250x80xi32, #tpu.memory_space<hbm>>
      tpu.enqueue_dma source(%dma_start3A_174 : memref<250x80xi32, #tpu.memory_space<hbm>>) target(%arg10 : memref<250x80xi32, #tpu.memory_space<vmem>>) target_semaphore(%run_scoped3A : memref<!tpu.dma_semaphore, #tpu.memory_space<semaphore_mem>>)
      %dma_wait3A_175 = arith.constant 0 : i32
      %dma_wait3A_176 = tpu.memref_slice %arg3[%mul3A_0, %dma_wait3A_175] : memref<4000x80xi32, #tpu.memory_space<hbm>> -> memref<250x80xi32, #tpu.memory_space<hbm>>
      %dma_wait3A_177 = arith.constant 0 : i32
      %dma_wait3A_178 = tpu.memref_slice %arg3[%mul3A_0, %dma_wait3A_177] : memref<4000x80xi32, #tpu.memory_space<hbm>> -> memref<250x80xi32, #tpu.memory_space<hbm>>
      tpu.wait_dma2 semaphore(%run_scoped3A : memref<!tpu.dma_semaphore, #tpu.memory_space<semaphore_mem>>) src(%dma_wait3A_178 : memref<250x80xi32, #tpu.memory_space<hbm>>) dst(%arg10 : memref<250x80xi32, #tpu.memory_space<vmem>>)
      tpu.yield
    }) : () -> ()
    "tpu.region"() ({
      %run_scoped3A = tpu.sem_alloc : memref<!tpu.dma_semaphore, #tpu.memory_space<semaphore_mem>>
      %dma_start3A_171 = arith.constant 0 : i32
      %dma_start3A_172 = tpu.memref_slice %arg5[%mul3A_0, %dma_start3A_171] : memref<4000x80xf32, #tpu.memory_space<hbm>> -> memref<250x80xf32, #tpu.memory_space<hbm>>
      %dma_start3A_173 = arith.constant 0 : i32
      %dma_start3A_174 = tpu.memref_slice %arg5[%mul3A_0, %dma_start3A_173] : memref<4000x80xf32, #tpu.memory_space<hbm>> -> memref<250x80xf32, #tpu.memory_space<hbm>>
      tpu.enqueue_dma source(%dma_start3A_174 : memref<250x80xf32, #tpu.memory_space<hbm>>) target(%arg11 : memref<250x80xf32, #tpu.memory_space<vmem>>) target_semaphore(%run_scoped3A : memref<!tpu.dma_semaphore, #tpu.memory_space<semaphore_mem>>)
      %dma_wait3A_175 = arith.constant 0 : i32
      %dma_wait3A_176 = tpu.memref_slice %arg5[%mul3A_0, %dma_wait3A_175] : memref<4000x80xf32, #tpu.memory_space<hbm>> -> memref<250x80xf32, #tpu.memory_space<hbm>>
      %dma_wait3A_177 = arith.constant 0 : i32
      %dma_wait3A_178 = tpu.memref_slice %arg5[%mul3A_0, %dma_wait3A_177] : memref<4000x80xf32, #tpu.memory_space<hbm>> -> memref<250x80xf32, #tpu.memory_space<hbm>>
      tpu.wait_dma2 semaphore(%run_scoped3A : memref<!tpu.dma_semaphore, #tpu.memory_space<semaphore_mem>>) src(%dma_wait3A_178 : memref<250x80xf32, #tpu.memory_space<hbm>>) dst(%arg11 : memref<250x80xf32, #tpu.memory_space<vmem>>)
      tpu.yield
    }) : () -> ()
    %mul3A_1 = arith.constant 10000 : i32
    %mul3A_2 = arith.muli %arg0, %mul3A_1 : i32
    %scan3A = arith.constant 0 : i32
    %scan3A_3 = arith.constant 0 : i32
    %scan3A_4 = arith.constant 250 : i32
    %scan3A_5 = arith.addi %scan3A_3, %scan3A_4 : i32
    %scan3A_6 = arith.constant 1 : i32
    scf.for %scan3A_171 = %scan3A_3 to %scan3A_5 step %scan3A_6  : i32 {
      %get3A = arith.index_cast %scan3A_171 : i32 to index
      %get3A_172 = arith.constant 0 : index
      %get3A_173 = tpu.vector_load %arg9[%get3A, %get3A_172] {strides = array<i32>} : memref<250x80xi32, #tpu.memory_space<vmem>>, vector<16xi32>,
      %add3A_174 = vector.broadcast %mul3A_2 : i32 to vector<16xi32>
      %add3A_175 = arith.addi %get3A_173, %add3A_174 : vector<16xi32>
      %swap3A = arith.index_cast %scan3A_171 : i32 to index
      %swap3A_176 = arith.constant 0 : index
      %swap3A_177 = tpu.vector_load %arg9[%swap3A, %swap3A_176] {strides = array<i32>} : memref<250x80xi32, #tpu.memory_space<vmem>>, vector<16xi32>,
      tpu.vector_store %arg9[%swap3A, %swap3A_176], %add3A_175 {strides = array<i32>} : memref<250x80xi32, #tpu.memory_space<vmem>>, vector<16xi32>,
      %get3A_178 = arith.index_cast %scan3A_171 : i32 to index
      %get3A_179 = arith.constant 16 : index
      %get3A_180 = tpu.vector_load %arg9[%get3A_178, %get3A_179] {strides = array<i32>} : memref<250x80xi32, #tpu.memory_space<vmem>>, vector<16xi32>,
      %add3A_181 = vector.broadcast %mul3A_2 : i32 to vector<16xi32>
      %add3A_182 = arith.addi %get3A_180, %add3A_181 : vector<16xi32>
      %swap3A_183 = arith.index_cast %scan3A_171 : i32 to index
      %swap3A_184 = arith.constant 16 : index
      %swap3A_185 = tpu.vector_load %arg9[%swap3A_183, %swap3A_184] {strides = array<i32>} : memref<250x80xi32, #tpu.memory_space<vmem>>, vector<16xi32>,
      tpu.vector_store %arg9[%swap3A_183, %swap3A_184], %add3A_182 {strides = array<i32>} : memref<250x80xi32, #tpu.memory_space<vmem>>, vector<16xi32>,
      %get3A_186 = arith.index_cast %scan3A_171 : i32 to index
      %get3A_187 = arith.constant 32 : index
      %get3A_188 = tpu.vector_load %arg9[%get3A_186, %get3A_187] {strides = array<i32>} : memref<250x80xi32, #tpu.memory_space<vmem>>, vector<16xi32>,
      %add3A_189 = vector.broadcast %mul3A_2 : i32 to vector<16xi32>
      %add3A_190 = arith.addi %get3A_188, %add3A_189 : vector<16xi32>
      %swap3A_191 = arith.index_cast %scan3A_171 : i32 to index
      %swap3A_192 = arith.constant 32 : index
      %swap3A_193 = tpu.vector_load %arg9[%swap3A_191, %swap3A_192] {strides = array<i32>} : memref<250x80xi32, #tpu.memory_space<vmem>>, vector<16xi32>,
      tpu.vector_store %arg9[%swap3A_191, %swap3A_192], %add3A_190 {strides = array<i32>} : memref<250x80xi32, #tpu.memory_space<vmem>>, vector<16xi32>,
      %get3A_194 = arith.index_cast %scan3A_171 : i32 to index
      %get3A_195 = arith.constant 48 : index
      %get3A_196 = tpu.vector_load %arg9[%get3A_194, %get3A_195] {strides = array<i32>} : memref<250x80xi32, #tpu.memory_space<vmem>>, vector<16xi32>,
      %add3A_197 = vector.broadcast %mul3A_2 : i32 to vector<16xi32>
      %add3A_198 = arith.addi %get3A_196, %add3A_197 : vector<16xi32>
      %swap3A_199 = arith.index_cast %scan3A_171 : i32 to index
      %swap3A_200 = arith.constant 48 : index
      %swap3A_201 = tpu.vector_load %arg9[%swap3A_199, %swap3A_200] {strides = array<i32>} : memref<250x80xi32, #tpu.memory_space<vmem>>, vector<16xi32>,
      tpu.vector_store %arg9[%swap3A_199, %swap3A_200], %add3A_198 {strides = array<i32>} : memref<250x80xi32, #tpu.memory_space<vmem>>, vector<16xi32>,
      %get3A_202 = arith.index_cast %scan3A_171 : i32 to index
      %get3A_203 = arith.constant 64 : index
      %get3A_204 = tpu.vector_load %arg9[%get3A_202, %get3A_203] {strides = array<i32>} : memref<250x80xi32, #tpu.memory_space<vmem>>, vector<16xi32>,
      %add3A_205 = vector.broadcast %mul3A_2 : i32 to vector<16xi32>
      %add3A_206 = arith.addi %get3A_204, %add3A_205 : vector<16xi32>
      %swap3A_207 = arith.index_cast %scan3A_171 : i32 to index
      %swap3A_208 = arith.constant 64 : index
      %swap3A_209 = tpu.vector_load %arg9[%swap3A_207, %swap3A_208] {strides = array<i32>} : memref<250x80xi32, #tpu.memory_space<vmem>>, vector<16xi32>,
      tpu.vector_store %arg9[%swap3A_207, %swap3A_208], %add3A_206 {strides = array<i32>} : memref<250x80xi32, #tpu.memory_space<vmem>>, vector<16xi32>,
    }
    %scan3A_7 = arith.constant 250 : i32
    "tpu.region"() ({
      %run_scoped3A = tpu.sem_alloc : memref<!tpu.dma_semaphore, #tpu.memory_space<semaphore_mem>>
      %dma_start3A_171 = arith.constant 0 : i32
      %dma_start3A_172 = tpu.memref_slice %arg6[%arg0, %dma_start3A_171] : memref<2x64xf32, #tpu.memory_space<hbm>> -> memref<1x64xf32, #tpu.memory_space<hbm>>
      %dma_start3A_173 = tpu.memref_squeeze %dma_start3A_172 : memref<1x64xf32, #tpu.memory_space<hbm>> -> memref<64xf32, #tpu.memory_space<hbm>>
      %dma_start3A_174 = arith.constant 0 : i32
      %dma_start3A_175 = tpu.memref_slice %arg6[%arg0, %dma_start3A_174] : memref<2x64xf32, #tpu.memory_space<hbm>> -> memref<1x64xf32, #tpu.memory_space<hbm>>
      %dma_start3A_176 = tpu.memref_squeeze %dma_start3A_175 : memref<1x64xf32, #tpu.memory_space<hbm>> -> memref<64xf32, #tpu.memory_space<hbm>>
      tpu.enqueue_dma source(%dma_start3A_176 : memref<64xf32, #tpu.memory_space<hbm>>) target(%arg14 : memref<64xf32, #tpu.memory_space<vmem>>) target_semaphore(%run_scoped3A : memref<!tpu.dma_semaphore, #tpu.memory_space<semaphore_mem>>)
      %dma_wait3A_177 = arith.constant 0 : i32
      %dma_wait3A_178 = tpu.memref_slice %arg6[%arg0, %dma_wait3A_177] : memref<2x64xf32, #tpu.memory_space<hbm>> -> memref<1x64xf32, #tpu.memory_space<hbm>>
      %dma_wait3A_179 = tpu.memref_squeeze %dma_wait3A_178 : memref<1x64xf32, #tpu.memory_space<hbm>> -> memref<64xf32, #tpu.memory_space<hbm>>
      %dma_wait3A_180 = arith.constant 0 : i32
      %dma_wait3A_181 = tpu.memref_slice %arg6[%arg0, %dma_wait3A_180] : memref<2x64xf32, #tpu.memory_space<hbm>> -> memref<1x64xf32, #tpu.memory_space<hbm>>
      %dma_wait3A_182 = tpu.memref_squeeze %dma_wait3A_181 : memref<1x64xf32, #tpu.memory_space<hbm>> -> memref<64xf32, #tpu.memory_space<hbm>>
      tpu.wait_dma2 semaphore(%run_scoped3A : memref<!tpu.dma_semaphore, #tpu.memory_space<semaphore_mem>>) src(%dma_wait3A_182 : memref<64xf32, #tpu.memory_space<hbm>>) dst(%arg14 : memref<64xf32, #tpu.memory_space<vmem>>)
      tpu.yield
    }) : () -> ()
    %scan3A_8 = arith.constant 0 : i32
    %scan3A_9 = arith.constant 0 : i32
    %scan3A_10 = arith.constant 25 : i32
    %scan3A_11 = arith.addi %scan3A_9, %scan3A_10 : i32
    %scan3A_12 = arith.constant 1 : i32
    scf.for %scan3A_171 = %scan3A_9 to %scan3A_11 step %scan3A_12  : i32 {
      %get3A = arith.constant 0 : index
      %get3A_172 = tpu.vector_load %arg14[%get3A] {strides = array<i32>} : memref<64xf32, #tpu.memory_space<vmem>>, vector<16xf32>,
      %swap3A = arith.index_cast %scan3A_171 : i32 to index
      %swap3A_173 = arith.constant 0 : index
      %swap3A_174 = tpu.vector_load %arg13[%swap3A, %swap3A_173] {strides = array<i32>} : memref<25x64xf32, #tpu.memory_space<vmem>>, vector<16xf32>,
      tpu.vector_store %arg13[%swap3A, %swap3A_173], %get3A_172 {strides = array<i32>} : memref<25x64xf32, #tpu.memory_space<vmem>>, vector<16xf32>,
      %get3A_175 = arith.constant 16 : index
      %get3A_176 = tpu.vector_load %arg14[%get3A_175] {strides = array<i32>} : memref<64xf32, #tpu.memory_space<vmem>>, vector<16xf32>,
      %swap3A_177 = arith.index_cast %scan3A_171 : i32 to index
      %swap3A_178 = arith.constant 16 : index
      %swap3A_179 = tpu.vector_load %arg13[%swap3A_177, %swap3A_178] {strides = array<i32>} : memref<25x64xf32, #tpu.memory_space<vmem>>, vector<16xf32>,
      tpu.vector_store %arg13[%swap3A_177, %swap3A_178], %get3A_176 {strides = array<i32>} : memref<25x64xf32, #tpu.memory_space<vmem>>, vector<16xf32>,
      %get3A_180 = arith.constant 32 : index
      %get3A_181 = tpu.vector_load %arg14[%get3A_180] {strides = array<i32>} : memref<64xf32, #tpu.memory_space<vmem>>, vector<16xf32>,
      %swap3A_182 = arith.index_cast %scan3A_171 : i32 to index
      %swap3A_183 = arith.constant 32 : index
      %swap3A_184 = tpu.vector_load %arg13[%swap3A_182, %swap3A_183] {strides = array<i32>} : memref<25x64xf32, #tpu.memory_space<vmem>>, vector<16xf32>,
      tpu.vector_store %arg13[%swap3A_182, %swap3A_183], %get3A_181 {strides = array<i32>} : memref<25x64xf32, #tpu.memory_space<vmem>>, vector<16xf32>,
      %get3A_185 = arith.constant 48 : index
      %get3A_186 = tpu.vector_load %arg14[%get3A_185] {strides = array<i32>} : memref<64xf32, #tpu.memory_space<vmem>>, vector<16xf32>,
      %swap3A_187 = arith.index_cast %scan3A_171 : i32 to index
      %swap3A_188 = arith.constant 48 : index
      %swap3A_189 = tpu.vector_load %arg13[%swap3A_187, %swap3A_188] {strides = array<i32>} : memref<25x64xf32, #tpu.memory_space<vmem>>, vector<16xf32>,
      tpu.vector_store %arg13[%swap3A_187, %swap3A_188], %get3A_186 {strides = array<i32>} : memref<25x64xf32, #tpu.memory_space<vmem>>, vector<16xf32>,
    }
    %scan3A_13 = arith.constant 25 : i32
    %mul3A_14 = arith.constant 625 : i32
    %mul3A_15 = arith.muli %arg1, %mul3A_14 : i32
    %add3A = arith.constant 0 : i32
    %add3A_16 = arith.addi %mul3A_15, %add3A : i32
    "tpu.region"() ({
      %run_scoped3A = tpu.sem_alloc : memref<!tpu.dma_semaphore, #tpu.memory_space<semaphore_mem>>
      %dma_start3A_171 = arith.constant 0 : i32
      %dma_start3A_172 = tpu.memref_slice %arg8[%add3A_16, %dma_start3A_171] : memref<10000x64xf32, #tpu.memory_space<vmem_shared>> -> memref<25x64xf32, #tpu.memory_space<vmem_shared>>
      %dma_start3A_173 = arith.constant 0 : i32
      %dma_start3A_174 = tpu.memref_slice %arg8[%add3A_16, %dma_start3A_173] : memref<10000x64xf32, #tpu.memory_space<vmem_shared>> -> memref<25x64xf32, #tpu.memory_space<vmem_shared>>
      tpu.enqueue_dma source(%arg13 : memref<25x64xf32, #tpu.memory_space<vmem>>) target(%dma_start3A_174 : memref<25x64xf32, #tpu.memory_space<vmem_shared>>) target_semaphore(%run_scoped3A : memref<!tpu.dma_semaphore, #tpu.memory_space<semaphore_mem>>)
      %dma_wait3A_175 = arith.constant 0 : i32
      %dma_wait3A_176 = tpu.memref_slice %arg8[%add3A_16, %dma_wait3A_175] : memref<10000x64xf32, #tpu.memory_space<vmem_shared>> -> memref<25x64xf32, #tpu.memory_space<vmem_shared>>
      %dma_wait3A_177 = arith.constant 0 : i32
      %dma_wait3A_178 = tpu.memref_slice %arg8[%add3A_16, %dma_wait3A_177] : memref<10000x64xf32, #tpu.memory_space<vmem_shared>> -> memref<25x64xf32, #tpu.memory_space<vmem_shared>>
      tpu.wait_dma2 semaphore(%run_scoped3A : memref<!tpu.dma_semaphore, #tpu.memory_space<semaphore_mem>>) src(%arg13 : memref<25x64xf32, #tpu.memory_space<vmem>>) dst(%dma_wait3A_178 : memref<25x64xf32, #tpu.memory_space<vmem_shared>>)
      tpu.yield
    }) : () -> ()
    %mul3A_17 = arith.constant 625 : i32
    %mul3A_18 = arith.muli %arg1, %mul3A_17 : i32
    %add3A_19 = arith.constant 25 : i32
    %add3A_20 = arith.addi %mul3A_18, %add3A_19 : i32
    "tpu.region"() ({
      %run_scoped3A = tpu.sem_alloc : memref<!tpu.dma_semaphore, #tpu.memory_space<semaphore_mem>>
      %dma_start3A_171 = arith.constant 0 : i32
      %dma_start3A_172 = tpu.memref_slice %arg8[%add3A_20, %dma_start3A_171] : memref<10000x64xf32, #tpu.memory_space<vmem_shared>> -> memref<25x64xf32, #tpu.memory_space<vmem_shared>>
      %dma_start3A_173 = arith.constant 0 : i32
      %dma_start3A_174 = tpu.memref_slice %arg8[%add3A_20, %dma_start3A_173] : memref<10000x64xf32, #tpu.memory_space<vmem_shared>> -> memref<25x64xf32, #tpu.memory_space<vmem_shared>>
      tpu.enqueue_dma source(%arg13 : memref<25x64xf32, #tpu.memory_space<vmem>>) target(%dma_start3A_174 : memref<25x64xf32, #tpu.memory_space<vmem_shared>>) target_semaphore(%run_scoped3A : memref<!tpu.dma_semaphore, #tpu.memory_space<semaphore_mem>>)
      %dma_wait3A_175 = arith.constant 0 : i32
      %dma_wait3A_176 = tpu.memref_slice %arg8[%add3A_20, %dma_wait3A_175] : memref<10000x64xf32, #tpu.memory_space<vmem_shared>> -> memref<25x64xf32, #tpu.memory_space<vmem_shared>>
      %dma_wait3A_177 = arith.constant 0 : i32
      %dma_wait3A_178 = tpu.memref_slice %arg8[%add3A_20, %dma_wait3A_177] : memref<10000x64xf32, #tpu.memory_space<vmem_shared>> -> memref<25x64xf32, #tpu.memory_space<vmem_shared>>
      tpu.wait_dma2 semaphore(%run_scoped3A : memref<!tpu.dma_semaphore, #tpu.memory_space<semaphore_mem>>) src(%arg13 : memref<25x64xf32, #tpu.memory_space<vmem>>) dst(%dma_wait3A_178 : memref<25x64xf32, #tpu.memory_space<vmem_shared>>)
      tpu.yield
    }) : () -> ()
    %mul3A_21 = arith.constant 625 : i32
    %mul3A_22 = arith.muli %arg1, %mul3A_21 : i32
    %add3A_23 = arith.constant 50 : i32
    %add3A_24 = arith.addi %mul3A_22, %add3A_23 : i32
    "tpu.region"() ({
      %run_scoped3A = tpu.sem_alloc : memref<!tpu.dma_semaphore, #tpu.memory_space<semaphore_mem>>
      %dma_start3A_171 = arith.constant 0 : i32
      %dma_start3A_172 = tpu.memref_slice %arg8[%add3A_24, %dma_start3A_171] : memref<10000x64xf32, #tpu.memory_space<vmem_shared>> -> memref<25x64xf32, #tpu.memory_space<vmem_shared>>
      %dma_start3A_173 = arith.constant 0 : i32
      %dma_start3A_174 = tpu.memref_slice %arg8[%add3A_24, %dma_start3A_173] : memref<10000x64xf32, #tpu.memory_space<vmem_shared>> -> memref<25x64xf32, #tpu.memory_space<vmem_shared>>
      tpu.enqueue_dma source(%arg13 : memref<25x64xf32, #tpu.memory_space<vmem>>) target(%dma_start3A_174 : memref<25x64xf32, #tpu.memory_space<vmem_shared>>) target_semaphore(%run_scoped3A : memref<!tpu.dma_semaphore, #tpu.memory_space<semaphore_mem>>)
      %dma_wait3A_175 = arith.constant 0 : i32
      %dma_wait3A_176 = tpu.memref_slice %arg8[%add3A_24, %dma_wait3A_175] : memref<10000x64xf32, #tpu.memory_space<vmem_shared>> -> memref<25x64xf32, #tpu.memory_space<vmem_shared>>
      %dma_wait3A_177 = arith.constant 0 : i32
      %dma_wait3A_178 = tpu.memref_slice %arg8[%add3A_24, %dma_wait3A_177] : memref<10000x64xf32, #tpu.memory_space<vmem_shared>> -> memref<25x64xf32, #tpu.memory_space<vmem_shared>>
      tpu.wait_dma2 semaphore(%run_scoped3A : memref<!tpu.dma_semaphore, #tpu.memory_space<semaphore_mem>>) src(%arg13 : memref<25x64xf32, #tpu.memory_space<vmem>>) dst(%dma_wait3A_178 : memref<25x64xf32, #tpu.memory_space<vmem_shared>>)
      tpu.yield
    }) : () -> ()
    %mul3A_25 = arith.constant 625 : i32
    %mul3A_26 = arith.muli %arg1, %mul3A_25 : i32
    %add3A_27 = arith.constant 75 : i32
    %add3A_28 = arith.addi %mul3A_26, %add3A_27 : i32
    "tpu.region"() ({
      %run_scoped3A = tpu.sem_alloc : memref<!tpu.dma_semaphore, #tpu.memory_space<semaphore_mem>>
      %dma_start3A_171 = arith.constant 0 : i32
      %dma_start3A_172 = tpu.memref_slice %arg8[%add3A_28, %dma_start3A_171] : memref<10000x64xf32, #tpu.memory_space<vmem_shared>> -> memref<25x64xf32, #tpu.memory_space<vmem_shared>>
      %dma_start3A_173 = arith.constant 0 : i32
      %dma_start3A_174 = tpu.memref_slice %arg8[%add3A_28, %dma_start3A_173] : memref<10000x64xf32, #tpu.memory_space<vmem_shared>> -> memref<25x64xf32, #tpu.memory_space<vmem_shared>>
      tpu.enqueue_dma source(%arg13 : memref<25x64xf32, #tpu.memory_space<vmem>>) target(%dma_start3A_174 : memref<25x64xf32, #tpu.memory_space<vmem_shared>>) target_semaphore(%run_scoped3A : memref<!tpu.dma_semaphore, #tpu.memory_space<semaphore_mem>>)
      %dma_wait3A_175 = arith.constant 0 : i32
      %dma_wait3A_176 = tpu.memref_slice %arg8[%add3A_28, %dma_wait3A_175] : memref<10000x64xf32, #tpu.memory_space<vmem_shared>> -> memref<25x64xf32, #tpu.memory_space<vmem_shared>>
      %dma_wait3A_177 = arith.constant 0 : i32
      %dma_wait3A_178 = tpu.memref_slice %arg8[%add3A_28, %dma_wait3A_177] : memref<10000x64xf32, #tpu.memory_space<vmem_shared>> -> memref<25x64xf32, #tpu.memory_space<vmem_shared>>
      tpu.wait_dma2 semaphore(%run_scoped3A : memref<!tpu.dma_semaphore, #tpu.memory_space<semaphore_mem>>) src(%arg13 : memref<25x64xf32, #tpu.memory_space<vmem>>) dst(%dma_wait3A_178 : memref<25x64xf32, #tpu.memory_space<vmem_shared>>)
      tpu.yield
    }) : () -> ()
    %mul3A_29 = arith.constant 625 : i32
    %mul3A_30 = arith.muli %arg1, %mul3A_29 : i32
    %add3A_31 = arith.constant 100 : i32
    %add3A_32 = arith.addi %mul3A_30, %add3A_31 : i32
    "tpu.region"() ({
      %run_scoped3A = tpu.sem_alloc : memref<!tpu.dma_semaphore, #tpu.memory_space<semaphore_mem>>
      %dma_start3A_171 = arith.constant 0 : i32
      %dma_start3A_172 = tpu.memref_slice %arg8[%add3A_32, %dma_start3A_171] : memref<10000x64xf32, #tpu.memory_space<vmem_shared>> -> memref<25x64xf32, #tpu.memory_space<vmem_shared>>
      %dma_start3A_173 = arith.constant 0 : i32
      %dma_start3A_174 = tpu.memref_slice %arg8[%add3A_32, %dma_start3A_173] : memref<10000x64xf32, #tpu.memory_space<vmem_shared>> -> memref<25x64xf32, #tpu.memory_space<vmem_shared>>
      tpu.enqueue_dma source(%arg13 : memref<25x64xf32, #tpu.memory_space<vmem>>) target(%dma_start3A_174 : memref<25x64xf32, #tpu.memory_space<vmem_shared>>) target_semaphore(%run_scoped3A : memref<!tpu.dma_semaphore, #tpu.memory_space<semaphore_mem>>)
      %dma_wait3A_175 = arith.constant 0 : i32
      %dma_wait3A_176 = tpu.memref_slice %arg8[%add3A_32, %dma_wait3A_175] : memref<10000x64xf32, #tpu.memory_space<vmem_shared>> -> memref<25x64xf32, #tpu.memory_space<vmem_shared>>
      %dma_wait3A_177 = arith.constant 0 : i32
      %dma_wait3A_178 = tpu.memref_slice %arg8[%add3A_32, %dma_wait3A_177] : memref<10000x64xf32, #tpu.memory_space<vmem_shared>> -> memref<25x64xf32, #tpu.memory_space<vmem_shared>>
      tpu.wait_dma2 semaphore(%run_scoped3A : memref<!tpu.dma_semaphore, #tpu.memory_space<semaphore_mem>>) src(%arg13 : memref<25x64xf32, #tpu.memory_space<vmem>>) dst(%dma_wait3A_178 : memref<25x64xf32, #tpu.memory_space<vmem_shared>>)
      tpu.yield
    }) : () -> ()
    %mul3A_33 = arith.constant 625 : i32
    %mul3A_34 = arith.muli %arg1, %mul3A_33 : i32
    %add3A_35 = arith.constant 125 : i32
    %add3A_36 = arith.addi %mul3A_34, %add3A_35 : i32
    "tpu.region"() ({
      %run_scoped3A = tpu.sem_alloc : memref<!tpu.dma_semaphore, #tpu.memory_space<semaphore_mem>>
      %dma_start3A_171 = arith.constant 0 : i32
      %dma_start3A_172 = tpu.memref_slice %arg8[%add3A_36, %dma_start3A_171] : memref<10000x64xf32, #tpu.memory_space<vmem_shared>> -> memref<25x64xf32, #tpu.memory_space<vmem_shared>>
      %dma_start3A_173 = arith.constant 0 : i32
      %dma_start3A_174 = tpu.memref_slice %arg8[%add3A_36, %dma_start3A_173] : memref<10000x64xf32, #tpu.memory_space<vmem_shared>> -> memref<25x64xf32, #tpu.memory_space<vmem_shared>>
      tpu.enqueue_dma source(%arg13 : memref<25x64xf32, #tpu.memory_space<vmem>>) target(%dma_start3A_174 : memref<25x64xf32, #tpu.memory_space<vmem_shared>>) target_semaphore(%run_scoped3A : memref<!tpu.dma_semaphore, #tpu.memory_space<semaphore_mem>>)
      %dma_wait3A_175 = arith.constant 0 : i32
      %dma_wait3A_176 = tpu.memref_slice %arg8[%add3A_36, %dma_wait3A_175] : memref<10000x64xf32, #tpu.memory_space<vmem_shared>> -> memref<25x64xf32, #tpu.memory_space<vmem_shared>>
      %dma_wait3A_177 = arith.constant 0 : i32
      %dma_wait3A_178 = tpu.memref_slice %arg8[%add3A_36, %dma_wait3A_177] : memref<10000x64xf32, #tpu.memory_space<vmem_shared>> -> memref<25x64xf32, #tpu.memory_space<vmem_shared>>
      tpu.wait_dma2 semaphore(%run_scoped3A : memref<!tpu.dma_semaphore, #tpu.memory_space<semaphore_mem>>) src(%arg13 : memref<25x64xf32, #tpu.memory_space<vmem>>) dst(%dma_wait3A_178 : memref<25x64xf32, #tpu.memory_space<vmem_shared>>)
      tpu.yield
    }) : () -> ()
    %mul3A_37 = arith.constant 625 : i32
    %mul3A_38 = arith.muli %arg1, %mul3A_37 : i32
    %add3A_39 = arith.constant 150 : i32
    %add3A_40 = arith.addi %mul3A_38, %add3A_39 : i32
    "tpu.region"() ({
      %run_scoped3A = tpu.sem_alloc : memref<!tpu.dma_semaphore, #tpu.memory_space<semaphore_mem>>
      %dma_start3A_171 = arith.constant 0 : i32
      %dma_start3A_172 = tpu.memref_slice %arg8[%add3A_40, %dma_start3A_171] : memref<10000x64xf32, #tpu.memory_space<vmem_shared>> -> memref<25x64xf32, #tpu.memory_space<vmem_shared>>
      %dma_start3A_173 = arith.constant 0 : i32
      %dma_start3A_174 = tpu.memref_slice %arg8[%add3A_40, %dma_start3A_173] : memref<10000x64xf32, #tpu.memory_space<vmem_shared>> -> memref<25x64xf32, #tpu.memory_space<vmem_shared>>
      tpu.enqueue_dma source(%arg13 : memref<25x64xf32, #tpu.memory_space<vmem>>) target(%dma_start3A_174 : memref<25x64xf32, #tpu.memory_space<vmem_shared>>) target_semaphore(%run_scoped3A : memref<!tpu.dma_semaphore, #tpu.memory_space<semaphore_mem>>)
      %dma_wait3A_175 = arith.constant 0 : i32
      %dma_wait3A_176 = tpu.memref_slice %arg8[%add3A_40, %dma_wait3A_175] : memref<10000x64xf32, #tpu.memory_space<vmem_shared>> -> memref<25x64xf32, #tpu.memory_space<vmem_shared>>
      %dma_wait3A_177 = arith.constant 0 : i32
      %dma_wait3A_178 = tpu.memref_slice %arg8[%add3A_40, %dma_wait3A_177] : memref<10000x64xf32, #tpu.memory_space<vmem_shared>> -> memref<25x64xf32, #tpu.memory_space<vmem_shared>>
      tpu.wait_dma2 semaphore(%run_scoped3A : memref<!tpu.dma_semaphore, #tpu.memory_space<semaphore_mem>>) src(%arg13 : memref<25x64xf32, #tpu.memory_space<vmem>>) dst(%dma_wait3A_178 : memref<25x64xf32, #tpu.memory_space<vmem_shared>>)
      tpu.yield
    }) : () -> ()
    %mul3A_41 = arith.constant 625 : i32
    %mul3A_42 = arith.muli %arg1, %mul3A_41 : i32
    %add3A_43 = arith.constant 175 : i32
    %add3A_44 = arith.addi %mul3A_42, %add3A_43 : i32
    "tpu.region"() ({
      %run_scoped3A = tpu.sem_alloc : memref<!tpu.dma_semaphore, #tpu.memory_space<semaphore_mem>>
      %dma_start3A_171 = arith.constant 0 : i32
      %dma_start3A_172 = tpu.memref_slice %arg8[%add3A_44, %dma_start3A_171] : memref<10000x64xf32, #tpu.memory_space<vmem_shared>> -> memref<25x64xf32, #tpu.memory_space<vmem_shared>>
      %dma_start3A_173 = arith.constant 0 : i32
      %dma_start3A_174 = tpu.memref_slice %arg8[%add3A_44, %dma_start3A_173] : memref<10000x64xf32, #tpu.memory_space<vmem_shared>> -> memref<25x64xf32, #tpu.memory_space<vmem_shared>>
      tpu.enqueue_dma source(%arg13 : memref<25x64xf32, #tpu.memory_space<vmem>>) target(%dma_start3A_174 : memref<25x64xf32, #tpu.memory_space<vmem_shared>>) target_semaphore(%run_scoped3A : memref<!tpu.dma_semaphore, #tpu.memory_space<semaphore_mem>>)
      %dma_wait3A_175 = arith.constant 0 : i32
      %dma_wait3A_176 = tpu.memref_slice %arg8[%add3A_44, %dma_wait3A_175] : memref<10000x64xf32, #tpu.memory_space<vmem_shared>> -> memref<25x64xf32, #tpu.memory_space<vmem_shared>>
      %dma_wait3A_177 = arith.constant 0 : i32
      %dma_wait3A_178 = tpu.memref_slice %arg8[%add3A_44, %dma_wait3A_177] : memref<10000x64xf32, #tpu.memory_space<vmem_shared>> -> memref<25x64xf32, #tpu.memory_space<vmem_shared>>
      tpu.wait_dma2 semaphore(%run_scoped3A : memref<!tpu.dma_semaphore, #tpu.memory_space<semaphore_mem>>) src(%arg13 : memref<25x64xf32, #tpu.memory_space<vmem>>) dst(%dma_wait3A_178 : memref<25x64xf32, #tpu.memory_space<vmem_shared>>)
      tpu.yield
    }) : () -> ()
    %mul3A_45 = arith.constant 625 : i32
    %mul3A_46 = arith.muli %arg1, %mul3A_45 : i32
    %add3A_47 = arith.constant 200 : i32
    %add3A_48 = arith.addi %mul3A_46, %add3A_47 : i32
    "tpu.region"() ({
      %run_scoped3A = tpu.sem_alloc : memref<!tpu.dma_semaphore, #tpu.memory_space<semaphore_mem>>
      %dma_start3A_171 = arith.constant 0 : i32
      %dma_start3A_172 = tpu.memref_slice %arg8[%add3A_48, %dma_start3A_171] : memref<10000x64xf32, #tpu.memory_space<vmem_shared>> -> memref<25x64xf32, #tpu.memory_space<vmem_shared>>
      %dma_start3A_173 = arith.constant 0 : i32
      %dma_start3A_174 = tpu.memref_slice %arg8[%add3A_48, %dma_start3A_173] : memref<10000x64xf32, #tpu.memory_space<vmem_shared>> -> memref<25x64xf32, #tpu.memory_space<vmem_shared>>
      tpu.enqueue_dma source(%arg13 : memref<25x64xf32, #tpu.memory_space<vmem>>) target(%dma_start3A_174 : memref<25x64xf32, #tpu.memory_space<vmem_shared>>) target_semaphore(%run_scoped3A : memref<!tpu.dma_semaphore, #tpu.memory_space<semaphore_mem>>)
      %dma_wait3A_175 = arith.constant 0 : i32
      %dma_wait3A_176 = tpu.memref_slice %arg8[%add3A_48, %dma_wait3A_175] : memref<10000x64xf32, #tpu.memory_space<vmem_shared>> -> memref<25x64xf32, #tpu.memory_space<vmem_shared>>
      %dma_wait3A_177 = arith.constant 0 : i32
      %dma_wait3A_178 = tpu.memref_slice %arg8[%add3A_48, %dma_wait3A_177] : memref<10000x64xf32, #tpu.memory_space<vmem_shared>> -> memref<25x64xf32, #tpu.memory_space<vmem_shared>>
      tpu.wait_dma2 semaphore(%run_scoped3A : memref<!tpu.dma_semaphore, #tpu.memory_space<semaphore_mem>>) src(%arg13 : memref<25x64xf32, #tpu.memory_space<vmem>>) dst(%dma_wait3A_178 : memref<25x64xf32, #tpu.memory_space<vmem_shared>>)
      tpu.yield
    }) : () -> ()
    %mul3A_49 = arith.constant 625 : i32
    %mul3A_50 = arith.muli %arg1, %mul3A_49 : i32
    %add3A_51 = arith.constant 225 : i32
    %add3A_52 = arith.addi %mul3A_50, %add3A_51 : i32
    "tpu.region"() ({
      %run_scoped3A = tpu.sem_alloc : memref<!tpu.dma_semaphore, #tpu.memory_space<semaphore_mem>>
      %dma_start3A_171 = arith.constant 0 : i32
      %dma_start3A_172 = tpu.memref_slice %arg8[%add3A_52, %dma_start3A_171] : memref<10000x64xf32, #tpu.memory_space<vmem_shared>> -> memref<25x64xf32, #tpu.memory_space<vmem_shared>>
      %dma_start3A_173 = arith.constant 0 : i32
      %dma_start3A_174 = tpu.memref_slice %arg8[%add3A_52, %dma_start3A_173] : memref<10000x64xf32, #tpu.memory_space<vmem_shared>> -> memref<25x64xf32, #tpu.memory_space<vmem_shared>>
      tpu.enqueue_dma source(%arg13 : memref<25x64xf32, #tpu.memory_space<vmem>>) target(%dma_start3A_174 : memref<25x64xf32, #tpu.memory_space<vmem_shared>>) target_semaphore(%run_scoped3A : memref<!tpu.dma_semaphore, #tpu.memory_space<semaphore_mem>>)
      %dma_wait3A_175 = arith.constant 0 : i32
      %dma_wait3A_176 = tpu.memref_slice %arg8[%add3A_52, %dma_wait3A_175] : memref<10000x64xf32, #tpu.memory_space<vmem_shared>> -> memref<25x64xf32, #tpu.memory_space<vmem_shared>>
      %dma_wait3A_177 = arith.constant 0 : i32
      %dma_wait3A_178 = tpu.memref_slice %arg8[%add3A_52, %dma_wait3A_177] : memref<10000x64xf32, #tpu.memory_space<vmem_shared>> -> memref<25x64xf32, #tpu.memory_space<vmem_shared>>
      tpu.wait_dma2 semaphore(%run_scoped3A : memref<!tpu.dma_semaphore, #tpu.memory_space<semaphore_mem>>) src(%arg13 : memref<25x64xf32, #tpu.memory_space<vmem>>) dst(%dma_wait3A_178 : memref<25x64xf32, #tpu.memory_space<vmem_shared>>)
      tpu.yield
    }) : () -> ()
    %mul3A_53 = arith.constant 625 : i32
    %mul3A_54 = arith.muli %arg1, %mul3A_53 : i32
    %add3A_55 = arith.constant 250 : i32
    %add3A_56 = arith.addi %mul3A_54, %add3A_55 : i32
    "tpu.region"() ({
      %run_scoped3A = tpu.sem_alloc : memref<!tpu.dma_semaphore, #tpu.memory_space<semaphore_mem>>
      %dma_start3A_171 = arith.constant 0 : i32
      %dma_start3A_172 = tpu.memref_slice %arg8[%add3A_56, %dma_start3A_171] : memref<10000x64xf32, #tpu.memory_space<vmem_shared>> -> memref<25x64xf32, #tpu.memory_space<vmem_shared>>
      %dma_start3A_173 = arith.constant 0 : i32
      %dma_start3A_174 = tpu.memref_slice %arg8[%add3A_56, %dma_start3A_173] : memref<10000x64xf32, #tpu.memory_space<vmem_shared>> -> memref<25x64xf32, #tpu.memory_space<vmem_shared>>
      tpu.enqueue_dma source(%arg13 : memref<25x64xf32, #tpu.memory_space<vmem>>) target(%dma_start3A_174 : memref<25x64xf32, #tpu.memory_space<vmem_shared>>) target_semaphore(%run_scoped3A : memref<!tpu.dma_semaphore, #tpu.memory_space<semaphore_mem>>)
      %dma_wait3A_175 = arith.constant 0 : i32
      %dma_wait3A_176 = tpu.memref_slice %arg8[%add3A_56, %dma_wait3A_175] : memref<10000x64xf32, #tpu.memory_space<vmem_shared>> -> memref<25x64xf32, #tpu.memory_space<vmem_shared>>
      %dma_wait3A_177 = arith.constant 0 : i32
      %dma_wait3A_178 = tpu.memref_slice %arg8[%add3A_56, %dma_wait3A_177] : memref<10000x64xf32, #tpu.memory_space<vmem_shared>> -> memref<25x64xf32, #tpu.memory_space<vmem_shared>>
      tpu.wait_dma2 semaphore(%run_scoped3A : memref<!tpu.dma_semaphore, #tpu.memory_space<semaphore_mem>>) src(%arg13 : memref<25x64xf32, #tpu.memory_space<vmem>>) dst(%dma_wait3A_178 : memref<25x64xf32, #tpu.memory_space<vmem_shared>>)
      tpu.yield
    }) : () -> ()
    %mul3A_57 = arith.constant 625 : i32
    %mul3A_58 = arith.muli %arg1, %mul3A_57 : i32
    %add3A_59 = arith.constant 275 : i32
    %add3A_60 = arith.addi %mul3A_58, %add3A_59 : i32
    "tpu.region"() ({
      %run_scoped3A = tpu.sem_alloc : memref<!tpu.dma_semaphore, #tpu.memory_space<semaphore_mem>>
      %dma_start3A_171 = arith.constant 0 : i32
      %dma_start3A_172 = tpu.memref_slice %arg8[%add3A_60, %dma_start3A_171] : memref<10000x64xf32, #tpu.memory_space<vmem_shared>> -> memref<25x64xf32, #tpu.memory_space<vmem_shared>>
      %dma_start3A_173 = arith.constant 0 : i32
      %dma_start3A_174 = tpu.memref_slice %arg8[%add3A_60, %dma_start3A_173] : memref<10000x64xf32, #tpu.memory_space<vmem_shared>> -> memref<25x64xf32, #tpu.memory_space<vmem_shared>>
      tpu.enqueue_dma source(%arg13 : memref<25x64xf32, #tpu.memory_space<vmem>>) target(%dma_start3A_174 : memref<25x64xf32, #tpu.memory_space<vmem_shared>>) target_semaphore(%run_scoped3A : memref<!tpu.dma_semaphore, #tpu.memory_space<semaphore_mem>>)
      %dma_wait3A_175 = arith.constant 0 : i32
      %dma_wait3A_176 = tpu.memref_slice %arg8[%add3A_60, %dma_wait3A_175] : memref<10000x64xf32, #tpu.memory_space<vmem_shared>> -> memref<25x64xf32, #tpu.memory_space<vmem_shared>>
      %dma_wait3A_177 = arith.constant 0 : i32
      %dma_wait3A_178 = tpu.memref_slice %arg8[%add3A_60, %dma_wait3A_177] : memref<10000x64xf32, #tpu.memory_space<vmem_shared>> -> memref<25x64xf32, #tpu.memory_space<vmem_shared>>
      tpu.wait_dma2 semaphore(%run_scoped3A : memref<!tpu.dma_semaphore, #tpu.memory_space<semaphore_mem>>) src(%arg13 : memref<25x64xf32, #tpu.memory_space<vmem>>) dst(%dma_wait3A_178 : memref<25x64xf32, #tpu.memory_space<vmem_shared>>)
      tpu.yield
    }) : () -> ()
    %mul3A_61 = arith.constant 625 : i32
    %mul3A_62 = arith.muli %arg1, %mul3A_61 : i32
    %add3A_63 = arith.constant 300 : i32
    %add3A_64 = arith.addi %mul3A_62, %add3A_63 : i32
    "tpu.region"() ({
      %run_scoped3A = tpu.sem_alloc : memref<!tpu.dma_semaphore, #tpu.memory_space<semaphore_mem>>
      %dma_start3A_171 = arith.constant 0 : i32
      %dma_start3A_172 = tpu.memref_slice %arg8[%add3A_64, %dma_start3A_171] : memref<10000x64xf32, #tpu.memory_space<vmem_shared>> -> memref<25x64xf32, #tpu.memory_space<vmem_shared>>
      %dma_start3A_173 = arith.constant 0 : i32
      %dma_start3A_174 = tpu.memref_slice %arg8[%add3A_64, %dma_start3A_173] : memref<10000x64xf32, #tpu.memory_space<vmem_shared>> -> memref<25x64xf32, #tpu.memory_space<vmem_shared>>
      tpu.enqueue_dma source(%arg13 : memref<25x64xf32, #tpu.memory_space<vmem>>) target(%dma_start3A_174 : memref<25x64xf32, #tpu.memory_space<vmem_shared>>) target_semaphore(%run_scoped3A : memref<!tpu.dma_semaphore, #tpu.memory_space<semaphore_mem>>)
      %dma_wait3A_175 = arith.constant 0 : i32
      %dma_wait3A_176 = tpu.memref_slice %arg8[%add3A_64, %dma_wait3A_175] : memref<10000x64xf32, #tpu.memory_space<vmem_shared>> -> memref<25x64xf32, #tpu.memory_space<vmem_shared>>
      %dma_wait3A_177 = arith.constant 0 : i32
      %dma_wait3A_178 = tpu.memref_slice %arg8[%add3A_64, %dma_wait3A_177] : memref<10000x64xf32, #tpu.memory_space<vmem_shared>> -> memref<25x64xf32, #tpu.memory_space<vmem_shared>>
      tpu.wait_dma2 semaphore(%run_scoped3A : memref<!tpu.dma_semaphore, #tpu.memory_space<semaphore_mem>>) src(%arg13 : memref<25x64xf32, #tpu.memory_space<vmem>>) dst(%dma_wait3A_178 : memref<25x64xf32, #tpu.memory_space<vmem_shared>>)
      tpu.yield
    }) : () -> ()
    %mul3A_65 = arith.constant 625 : i32
    %mul3A_66 = arith.muli %arg1, %mul3A_65 : i32
    %add3A_67 = arith.constant 325 : i32
    %add3A_68 = arith.addi %mul3A_66, %add3A_67 : i32
    "tpu.region"() ({
      %run_scoped3A = tpu.sem_alloc : memref<!tpu.dma_semaphore, #tpu.memory_space<semaphore_mem>>
      %dma_start3A_171 = arith.constant 0 : i32
      %dma_start3A_172 = tpu.memref_slice %arg8[%add3A_68, %dma_start3A_171] : memref<10000x64xf32, #tpu.memory_space<vmem_shared>> -> memref<25x64xf32, #tpu.memory_space<vmem_shared>>
      %dma_start3A_173 = arith.constant 0 : i32
      %dma_start3A_174 = tpu.memref_slice %arg8[%add3A_68, %dma_start3A_173] : memref<10000x64xf32, #tpu.memory_space<vmem_shared>> -> memref<25x64xf32, #tpu.memory_space<vmem_shared>>
      tpu.enqueue_dma source(%arg13 : memref<25x64xf32, #tpu.memory_space<vmem>>) target(%dma_start3A_174 : memref<25x64xf32, #tpu.memory_space<vmem_shared>>) target_semaphore(%run_scoped3A : memref<!tpu.dma_semaphore, #tpu.memory_space<semaphore_mem>>)
      %dma_wait3A_175 = arith.constant 0 : i32
      %dma_wait3A_176 = tpu.memref_slice %arg8[%add3A_68, %dma_wait3A_175] : memref<10000x64xf32, #tpu.memory_space<vmem_shared>> -> memref<25x64xf32, #tpu.memory_space<vmem_shared>>
      %dma_wait3A_177 = arith.constant 0 : i32
      %dma_wait3A_178 = tpu.memref_slice %arg8[%add3A_68, %dma_wait3A_177] : memref<10000x64xf32, #tpu.memory_space<vmem_shared>> -> memref<25x64xf32, #tpu.memory_space<vmem_shared>>
      tpu.wait_dma2 semaphore(%run_scoped3A : memref<!tpu.dma_semaphore, #tpu.memory_space<semaphore_mem>>) src(%arg13 : memref<25x64xf32, #tpu.memory_space<vmem>>) dst(%dma_wait3A_178 : memref<25x64xf32, #tpu.memory_space<vmem_shared>>)
      tpu.yield
    }) : () -> ()
    %mul3A_69 = arith.constant 625 : i32
    %mul3A_70 = arith.muli %arg1, %mul3A_69 : i32
    %add3A_71 = arith.constant 350 : i32
    %add3A_72 = arith.addi %mul3A_70, %add3A_71 : i32
    "tpu.region"() ({
      %run_scoped3A = tpu.sem_alloc : memref<!tpu.dma_semaphore, #tpu.memory_space<semaphore_mem>>
      %dma_start3A_171 = arith.constant 0 : i32
      %dma_start3A_172 = tpu.memref_slice %arg8[%add3A_72, %dma_start3A_171] : memref<10000x64xf32, #tpu.memory_space<vmem_shared>> -> memref<25x64xf32, #tpu.memory_space<vmem_shared>>
      %dma_start3A_173 = arith.constant 0 : i32
      %dma_start3A_174 = tpu.memref_slice %arg8[%add3A_72, %dma_start3A_173] : memref<10000x64xf32, #tpu.memory_space<vmem_shared>> -> memref<25x64xf32, #tpu.memory_space<vmem_shared>>
      tpu.enqueue_dma source(%arg13 : memref<25x64xf32, #tpu.memory_space<vmem>>) target(%dma_start3A_174 : memref<25x64xf32, #tpu.memory_space<vmem_shared>>) target_semaphore(%run_scoped3A : memref<!tpu.dma_semaphore, #tpu.memory_space<semaphore_mem>>)
      %dma_wait3A_175 = arith.constant 0 : i32
      %dma_wait3A_176 = tpu.memref_slice %arg8[%add3A_72, %dma_wait3A_175] : memref<10000x64xf32, #tpu.memory_space<vmem_shared>> -> memref<25x64xf32, #tpu.memory_space<vmem_shared>>
      %dma_wait3A_177 = arith.constant 0 : i32
      %dma_wait3A_178 = tpu.memref_slice %arg8[%add3A_72, %dma_wait3A_177] : memref<10000x64xf32, #tpu.memory_space<vmem_shared>> -> memref<25x64xf32, #tpu.memory_space<vmem_shared>>
      tpu.wait_dma2 semaphore(%run_scoped3A : memref<!tpu.dma_semaphore, #tpu.memory_space<semaphore_mem>>) src(%arg13 : memref<25x64xf32, #tpu.memory_space<vmem>>) dst(%dma_wait3A_178 : memref<25x64xf32, #tpu.memory_space<vmem_shared>>)
      tpu.yield
    }) : () -> ()
    %mul3A_73 = arith.constant 625 : i32
    %mul3A_74 = arith.muli %arg1, %mul3A_73 : i32
    %add3A_75 = arith.constant 375 : i32
    %add3A_76 = arith.addi %mul3A_74, %add3A_75 : i32
    "tpu.region"() ({
      %run_scoped3A = tpu.sem_alloc : memref<!tpu.dma_semaphore, #tpu.memory_space<semaphore_mem>>
      %dma_start3A_171 = arith.constant 0 : i32
      %dma_start3A_172 = tpu.memref_slice %arg8[%add3A_76, %dma_start3A_171] : memref<10000x64xf32, #tpu.memory_space<vmem_shared>> -> memref<25x64xf32, #tpu.memory_space<vmem_shared>>
      %dma_start3A_173 = arith.constant 0 : i32
      %dma_start3A_174 = tpu.memref_slice %arg8[%add3A_76, %dma_start3A_173] : memref<10000x64xf32, #tpu.memory_space<vmem_shared>> -> memref<25x64xf32, #tpu.memory_space<vmem_shared>>
      tpu.enqueue_dma source(%arg13 : memref<25x64xf32, #tpu.memory_space<vmem>>) target(%dma_start3A_174 : memref<25x64xf32, #tpu.memory_space<vmem_shared>>) target_semaphore(%run_scoped3A : memref<!tpu.dma_semaphore, #tpu.memory_space<semaphore_mem>>)
      %dma_wait3A_175 = arith.constant 0 : i32
      %dma_wait3A_176 = tpu.memref_slice %arg8[%add3A_76, %dma_wait3A_175] : memref<10000x64xf32, #tpu.memory_space<vmem_shared>> -> memref<25x64xf32, #tpu.memory_space<vmem_shared>>
      %dma_wait3A_177 = arith.constant 0 : i32
      %dma_wait3A_178 = tpu.memref_slice %arg8[%add3A_76, %dma_wait3A_177] : memref<10000x64xf32, #tpu.memory_space<vmem_shared>> -> memref<25x64xf32, #tpu.memory_space<vmem_shared>>
      tpu.wait_dma2 semaphore(%run_scoped3A : memref<!tpu.dma_semaphore, #tpu.memory_space<semaphore_mem>>) src(%arg13 : memref<25x64xf32, #tpu.memory_space<vmem>>) dst(%dma_wait3A_178 : memref<25x64xf32, #tpu.memory_space<vmem_shared>>)
      tpu.yield
    }) : () -> ()
    %mul3A_77 = arith.constant 625 : i32
    %mul3A_78 = arith.muli %arg1, %mul3A_77 : i32
    %add3A_79 = arith.constant 400 : i32
    %add3A_80 = arith.addi %mul3A_78, %add3A_79 : i32
    "tpu.region"() ({
      %run_scoped3A = tpu.sem_alloc : memref<!tpu.dma_semaphore, #tpu.memory_space<semaphore_mem>>
      %dma_start3A_171 = arith.constant 0 : i32
      %dma_start3A_172 = tpu.memref_slice %arg8[%add3A_80, %dma_start3A_171] : memref<10000x64xf32, #tpu.memory_space<vmem_shared>> -> memref<25x64xf32, #tpu.memory_space<vmem_shared>>
      %dma_start3A_173 = arith.constant 0 : i32
      %dma_start3A_174 = tpu.memref_slice %arg8[%add3A_80, %dma_start3A_173] : memref<10000x64xf32, #tpu.memory_space<vmem_shared>> -> memref<25x64xf32, #tpu.memory_space<vmem_shared>>
      tpu.enqueue_dma source(%arg13 : memref<25x64xf32, #tpu.memory_space<vmem>>) target(%dma_start3A_174 : memref<25x64xf32, #tpu.memory_space<vmem_shared>>) target_semaphore(%run_scoped3A : memref<!tpu.dma_semaphore, #tpu.memory_space<semaphore_mem>>)
      %dma_wait3A_175 = arith.constant 0 : i32
      %dma_wait3A_176 = tpu.memref_slice %arg8[%add3A_80, %dma_wait3A_175] : memref<10000x64xf32, #tpu.memory_space<vmem_shared>> -> memref<25x64xf32, #tpu.memory_space<vmem_shared>>
      %dma_wait3A_177 = arith.constant 0 : i32
      %dma_wait3A_178 = tpu.memref_slice %arg8[%add3A_80, %dma_wait3A_177] : memref<10000x64xf32, #tpu.memory_space<vmem_shared>> -> memref<25x64xf32, #tpu.memory_space<vmem_shared>>
      tpu.wait_dma2 semaphore(%run_scoped3A : memref<!tpu.dma_semaphore, #tpu.memory_space<semaphore_mem>>) src(%arg13 : memref<25x64xf32, #tpu.memory_space<vmem>>) dst(%dma_wait3A_178 : memref<25x64xf32, #tpu.memory_space<vmem_shared>>)
      tpu.yield
    }) : () -> ()
    %mul3A_81 = arith.constant 625 : i32
    %mul3A_82 = arith.muli %arg1, %mul3A_81 : i32
    %add3A_83 = arith.constant 425 : i32
    %add3A_84 = arith.addi %mul3A_82, %add3A_83 : i32
    "tpu.region"() ({
      %run_scoped3A = tpu.sem_alloc : memref<!tpu.dma_semaphore, #tpu.memory_space<semaphore_mem>>
      %dma_start3A_171 = arith.constant 0 : i32
      %dma_start3A_172 = tpu.memref_slice %arg8[%add3A_84, %dma_start3A_171] : memref<10000x64xf32, #tpu.memory_space<vmem_shared>> -> memref<25x64xf32, #tpu.memory_space<vmem_shared>>
      %dma_start3A_173 = arith.constant 0 : i32
      %dma_start3A_174 = tpu.memref_slice %arg8[%add3A_84, %dma_start3A_173] : memref<10000x64xf32, #tpu.memory_space<vmem_shared>> -> memref<25x64xf32, #tpu.memory_space<vmem_shared>>
      tpu.enqueue_dma source(%arg13 : memref<25x64xf32, #tpu.memory_space<vmem>>) target(%dma_start3A_174 : memref<25x64xf32, #tpu.memory_space<vmem_shared>>) target_semaphore(%run_scoped3A : memref<!tpu.dma_semaphore, #tpu.memory_space<semaphore_mem>>)
      %dma_wait3A_175 = arith.constant 0 : i32
      %dma_wait3A_176 = tpu.memref_slice %arg8[%add3A_84, %dma_wait3A_175] : memref<10000x64xf32, #tpu.memory_space<vmem_shared>> -> memref<25x64xf32, #tpu.memory_space<vmem_shared>>
      %dma_wait3A_177 = arith.constant 0 : i32
      %dma_wait3A_178 = tpu.memref_slice %arg8[%add3A_84, %dma_wait3A_177] : memref<10000x64xf32, #tpu.memory_space<vmem_shared>> -> memref<25x64xf32, #tpu.memory_space<vmem_shared>>
      tpu.wait_dma2 semaphore(%run_scoped3A : memref<!tpu.dma_semaphore, #tpu.memory_space<semaphore_mem>>) src(%arg13 : memref<25x64xf32, #tpu.memory_space<vmem>>) dst(%dma_wait3A_178 : memref<25x64xf32, #tpu.memory_space<vmem_shared>>)
      tpu.yield
    }) : () -> ()
    %mul3A_85 = arith.constant 625 : i32
    %mul3A_86 = arith.muli %arg1, %mul3A_85 : i32
    %add3A_87 = arith.constant 450 : i32
    %add3A_88 = arith.addi %mul3A_86, %add3A_87 : i32
    "tpu.region"() ({
      %run_scoped3A = tpu.sem_alloc : memref<!tpu.dma_semaphore, #tpu.memory_space<semaphore_mem>>
      %dma_start3A_171 = arith.constant 0 : i32
      %dma_start3A_172 = tpu.memref_slice %arg8[%add3A_88, %dma_start3A_171] : memref<10000x64xf32, #tpu.memory_space<vmem_shared>> -> memref<25x64xf32, #tpu.memory_space<vmem_shared>>
      %dma_start3A_173 = arith.constant 0 : i32
      %dma_start3A_174 = tpu.memref_slice %arg8[%add3A_88, %dma_start3A_173] : memref<10000x64xf32, #tpu.memory_space<vmem_shared>> -> memref<25x64xf32, #tpu.memory_space<vmem_shared>>
      tpu.enqueue_dma source(%arg13 : memref<25x64xf32, #tpu.memory_space<vmem>>) target(%dma_start3A_174 : memref<25x64xf32, #tpu.memory_space<vmem_shared>>) target_semaphore(%run_scoped3A : memref<!tpu.dma_semaphore, #tpu.memory_space<semaphore_mem>>)
      %dma_wait3A_175 = arith.constant 0 : i32
      %dma_wait3A_176 = tpu.memref_slice %arg8[%add3A_88, %dma_wait3A_175] : memref<10000x64xf32, #tpu.memory_space<vmem_shared>> -> memref<25x64xf32, #tpu.memory_space<vmem_shared>>
      %dma_wait3A_177 = arith.constant 0 : i32
      %dma_wait3A_178 = tpu.memref_slice %arg8[%add3A_88, %dma_wait3A_177] : memref<10000x64xf32, #tpu.memory_space<vmem_shared>> -> memref<25x64xf32, #tpu.memory_space<vmem_shared>>
      tpu.wait_dma2 semaphore(%run_scoped3A : memref<!tpu.dma_semaphore, #tpu.memory_space<semaphore_mem>>) src(%arg13 : memref<25x64xf32, #tpu.memory_space<vmem>>) dst(%dma_wait3A_178 : memref<25x64xf32, #tpu.memory_space<vmem_shared>>)
      tpu.yield
    }) : () -> ()
    %mul3A_89 = arith.constant 625 : i32
    %mul3A_90 = arith.muli %arg1, %mul3A_89 : i32
    %add3A_91 = arith.constant 475 : i32
    %add3A_92 = arith.addi %mul3A_90, %add3A_91 : i32
    "tpu.region"() ({
      %run_scoped3A = tpu.sem_alloc : memref<!tpu.dma_semaphore, #tpu.memory_space<semaphore_mem>>
      %dma_start3A_171 = arith.constant 0 : i32
      %dma_start3A_172 = tpu.memref_slice %arg8[%add3A_92, %dma_start3A_171] : memref<10000x64xf32, #tpu.memory_space<vmem_shared>> -> memref<25x64xf32, #tpu.memory_space<vmem_shared>>
      %dma_start3A_173 = arith.constant 0 : i32
      %dma_start3A_174 = tpu.memref_slice %arg8[%add3A_92, %dma_start3A_173] : memref<10000x64xf32, #tpu.memory_space<vmem_shared>> -> memref<25x64xf32, #tpu.memory_space<vmem_shared>>
      tpu.enqueue_dma source(%arg13 : memref<25x64xf32, #tpu.memory_space<vmem>>) target(%dma_start3A_174 : memref<25x64xf32, #tpu.memory_space<vmem_shared>>) target_semaphore(%run_scoped3A : memref<!tpu.dma_semaphore, #tpu.memory_space<semaphore_mem>>)
      %dma_wait3A_175 = arith.constant 0 : i32
      %dma_wait3A_176 = tpu.memref_slice %arg8[%add3A_92, %dma_wait3A_175] : memref<10000x64xf32, #tpu.memory_space<vmem_shared>> -> memref<25x64xf32, #tpu.memory_space<vmem_shared>>
      %dma_wait3A_177 = arith.constant 0 : i32
      %dma_wait3A_178 = tpu.memref_slice %arg8[%add3A_92, %dma_wait3A_177] : memref<10000x64xf32, #tpu.memory_space<vmem_shared>> -> memref<25x64xf32, #tpu.memory_space<vmem_shared>>
      tpu.wait_dma2 semaphore(%run_scoped3A : memref<!tpu.dma_semaphore, #tpu.memory_space<semaphore_mem>>) src(%arg13 : memref<25x64xf32, #tpu.memory_space<vmem>>) dst(%dma_wait3A_178 : memref<25x64xf32, #tpu.memory_space<vmem_shared>>)
      tpu.yield
    }) : () -> ()
    %mul3A_93 = arith.constant 625 : i32
    %mul3A_94 = arith.muli %arg1, %mul3A_93 : i32
    %add3A_95 = arith.constant 500 : i32
    %add3A_96 = arith.addi %mul3A_94, %add3A_95 : i32
    "tpu.region"() ({
      %run_scoped3A = tpu.sem_alloc : memref<!tpu.dma_semaphore, #tpu.memory_space<semaphore_mem>>
      %dma_start3A_171 = arith.constant 0 : i32
      %dma_start3A_172 = tpu.memref_slice %arg8[%add3A_96, %dma_start3A_171] : memref<10000x64xf32, #tpu.memory_space<vmem_shared>> -> memref<25x64xf32, #tpu.memory_space<vmem_shared>>
      %dma_start3A_173 = arith.constant 0 : i32
      %dma_start3A_174 = tpu.memref_slice %arg8[%add3A_96, %dma_start3A_173] : memref<10000x64xf32, #tpu.memory_space<vmem_shared>> -> memref<25x64xf32, #tpu.memory_space<vmem_shared>>
      tpu.enqueue_dma source(%arg13 : memref<25x64xf32, #tpu.memory_space<vmem>>) target(%dma_start3A_174 : memref<25x64xf32, #tpu.memory_space<vmem_shared>>) target_semaphore(%run_scoped3A : memref<!tpu.dma_semaphore, #tpu.memory_space<semaphore_mem>>)
      %dma_wait3A_175 = arith.constant 0 : i32
      %dma_wait3A_176 = tpu.memref_slice %arg8[%add3A_96, %dma_wait3A_175] : memref<10000x64xf32, #tpu.memory_space<vmem_shared>> -> memref<25x64xf32, #tpu.memory_space<vmem_shared>>
      %dma_wait3A_177 = arith.constant 0 : i32
      %dma_wait3A_178 = tpu.memref_slice %arg8[%add3A_96, %dma_wait3A_177] : memref<10000x64xf32, #tpu.memory_space<vmem_shared>> -> memref<25x64xf32, #tpu.memory_space<vmem_shared>>
      tpu.wait_dma2 semaphore(%run_scoped3A : memref<!tpu.dma_semaphore, #tpu.memory_space<semaphore_mem>>) src(%arg13 : memref<25x64xf32, #tpu.memory_space<vmem>>) dst(%dma_wait3A_178 : memref<25x64xf32, #tpu.memory_space<vmem_shared>>)
      tpu.yield
    }) : () -> ()
    %mul3A_97 = arith.constant 625 : i32
    %mul3A_98 = arith.muli %arg1, %mul3A_97 : i32
    %add3A_99 = arith.constant 525 : i32
    %add3A_100 = arith.addi %mul3A_98, %add3A_99 : i32
    "tpu.region"() ({
      %run_scoped3A = tpu.sem_alloc : memref<!tpu.dma_semaphore, #tpu.memory_space<semaphore_mem>>
      %dma_start3A_171 = arith.constant 0 : i32
      %dma_start3A_172 = tpu.memref_slice %arg8[%add3A_100, %dma_start3A_171] : memref<10000x64xf32, #tpu.memory_space<vmem_shared>> -> memref<25x64xf32, #tpu.memory_space<vmem_shared>>
      %dma_start3A_173 = arith.constant 0 : i32
      %dma_start3A_174 = tpu.memref_slice %arg8[%add3A_100, %dma_start3A_173] : memref<10000x64xf32, #tpu.memory_space<vmem_shared>> -> memref<25x64xf32, #tpu.memory_space<vmem_shared>>
      tpu.enqueue_dma source(%arg13 : memref<25x64xf32, #tpu.memory_space<vmem>>) target(%dma_start3A_174 : memref<25x64xf32, #tpu.memory_space<vmem_shared>>) target_semaphore(%run_scoped3A : memref<!tpu.dma_semaphore, #tpu.memory_space<semaphore_mem>>)
      %dma_wait3A_175 = arith.constant 0 : i32
      %dma_wait3A_176 = tpu.memref_slice %arg8[%add3A_100, %dma_wait3A_175] : memref<10000x64xf32, #tpu.memory_space<vmem_shared>> -> memref<25x64xf32, #tpu.memory_space<vmem_shared>>
      %dma_wait3A_177 = arith.constant 0 : i32
      %dma_wait3A_178 = tpu.memref_slice %arg8[%add3A_100, %dma_wait3A_177] : memref<10000x64xf32, #tpu.memory_space<vmem_shared>> -> memref<25x64xf32, #tpu.memory_space<vmem_shared>>
      tpu.wait_dma2 semaphore(%run_scoped3A : memref<!tpu.dma_semaphore, #tpu.memory_space<semaphore_mem>>) src(%arg13 : memref<25x64xf32, #tpu.memory_space<vmem>>) dst(%dma_wait3A_178 : memref<25x64xf32, #tpu.memory_space<vmem_shared>>)
      tpu.yield
    }) : () -> ()
    %mul3A_101 = arith.constant 625 : i32
    %mul3A_102 = arith.muli %arg1, %mul3A_101 : i32
    %add3A_103 = arith.constant 550 : i32
    %add3A_104 = arith.addi %mul3A_102, %add3A_103 : i32
    "tpu.region"() ({
      %run_scoped3A = tpu.sem_alloc : memref<!tpu.dma_semaphore, #tpu.memory_space<semaphore_mem>>
      %dma_start3A_171 = arith.constant 0 : i32
      %dma_start3A_172 = tpu.memref_slice %arg8[%add3A_104, %dma_start3A_171] : memref<10000x64xf32, #tpu.memory_space<vmem_shared>> -> memref<25x64xf32, #tpu.memory_space<vmem_shared>>
      %dma_start3A_173 = arith.constant 0 : i32
      %dma_start3A_174 = tpu.memref_slice %arg8[%add3A_104, %dma_start3A_173] : memref<10000x64xf32, #tpu.memory_space<vmem_shared>> -> memref<25x64xf32, #tpu.memory_space<vmem_shared>>
      tpu.enqueue_dma source(%arg13 : memref<25x64xf32, #tpu.memory_space<vmem>>) target(%dma_start3A_174 : memref<25x64xf32, #tpu.memory_space<vmem_shared>>) target_semaphore(%run_scoped3A : memref<!tpu.dma_semaphore, #tpu.memory_space<semaphore_mem>>)
      %dma_wait3A_175 = arith.constant 0 : i32
      %dma_wait3A_176 = tpu.memref_slice %arg8[%add3A_104, %dma_wait3A_175] : memref<10000x64xf32, #tpu.memory_space<vmem_shared>> -> memref<25x64xf32, #tpu.memory_space<vmem_shared>>
      %dma_wait3A_177 = arith.constant 0 : i32
      %dma_wait3A_178 = tpu.memref_slice %arg8[%add3A_104, %dma_wait3A_177] : memref<10000x64xf32, #tpu.memory_space<vmem_shared>> -> memref<25x64xf32, #tpu.memory_space<vmem_shared>>
      tpu.wait_dma2 semaphore(%run_scoped3A : memref<!tpu.dma_semaphore, #tpu.memory_space<semaphore_mem>>) src(%arg13 : memref<25x64xf32, #tpu.memory_space<vmem>>) dst(%dma_wait3A_178 : memref<25x64xf32, #tpu.memory_space<vmem_shared>>)
      tpu.yield
    }) : () -> ()
    %mul3A_105 = arith.constant 625 : i32
    %mul3A_106 = arith.muli %arg1, %mul3A_105 : i32
    %add3A_107 = arith.constant 575 : i32
    %add3A_108 = arith.addi %mul3A_106, %add3A_107 : i32
    "tpu.region"() ({
      %run_scoped3A = tpu.sem_alloc : memref<!tpu.dma_semaphore, #tpu.memory_space<semaphore_mem>>
      %dma_start3A_171 = arith.constant 0 : i32
      %dma_start3A_172 = tpu.memref_slice %arg8[%add3A_108, %dma_start3A_171] : memref<10000x64xf32, #tpu.memory_space<vmem_shared>> -> memref<25x64xf32, #tpu.memory_space<vmem_shared>>
      %dma_start3A_173 = arith.constant 0 : i32
      %dma_start3A_174 = tpu.memref_slice %arg8[%add3A_108, %dma_start3A_173] : memref<10000x64xf32, #tpu.memory_space<vmem_shared>> -> memref<25x64xf32, #tpu.memory_space<vmem_shared>>
      tpu.enqueue_dma source(%arg13 : memref<25x64xf32, #tpu.memory_space<vmem>>) target(%dma_start3A_174 : memref<25x64xf32, #tpu.memory_space<vmem_shared>>) target_semaphore(%run_scoped3A : memref<!tpu.dma_semaphore, #tpu.memory_space<semaphore_mem>>)
      %dma_wait3A_175 = arith.constant 0 : i32
      %dma_wait3A_176 = tpu.memref_slice %arg8[%add3A_108, %dma_wait3A_175] : memref<10000x64xf32, #tpu.memory_space<vmem_shared>> -> memref<25x64xf32, #tpu.memory_space<vmem_shared>>
      %dma_wait3A_177 = arith.constant 0 : i32
      %dma_wait3A_178 = tpu.memref_slice %arg8[%add3A_108, %dma_wait3A_177] : memref<10000x64xf32, #tpu.memory_space<vmem_shared>> -> memref<25x64xf32, #tpu.memory_space<vmem_shared>>
      tpu.wait_dma2 semaphore(%run_scoped3A : memref<!tpu.dma_semaphore, #tpu.memory_space<semaphore_mem>>) src(%arg13 : memref<25x64xf32, #tpu.memory_space<vmem>>) dst(%dma_wait3A_178 : memref<25x64xf32, #tpu.memory_space<vmem_shared>>)
      tpu.yield
    }) : () -> ()
    %mul3A_109 = arith.constant 625 : i32
    %mul3A_110 = arith.muli %arg1, %mul3A_109 : i32
    %add3A_111 = arith.constant 600 : i32
    %add3A_112 = arith.addi %mul3A_110, %add3A_111 : i32
    "tpu.region"() ({
      %run_scoped3A = tpu.sem_alloc : memref<!tpu.dma_semaphore, #tpu.memory_space<semaphore_mem>>
      %dma_start3A_171 = arith.constant 0 : i32
      %dma_start3A_172 = tpu.memref_slice %arg8[%add3A_112, %dma_start3A_171] : memref<10000x64xf32, #tpu.memory_space<vmem_shared>> -> memref<25x64xf32, #tpu.memory_space<vmem_shared>>
      %dma_start3A_173 = arith.constant 0 : i32
      %dma_start3A_174 = tpu.memref_slice %arg8[%add3A_112, %dma_start3A_173] : memref<10000x64xf32, #tpu.memory_space<vmem_shared>> -> memref<25x64xf32, #tpu.memory_space<vmem_shared>>
      tpu.enqueue_dma source(%arg13 : memref<25x64xf32, #tpu.memory_space<vmem>>) target(%dma_start3A_174 : memref<25x64xf32, #tpu.memory_space<vmem_shared>>) target_semaphore(%run_scoped3A : memref<!tpu.dma_semaphore, #tpu.memory_space<semaphore_mem>>)
      %dma_wait3A_175 = arith.constant 0 : i32
      %dma_wait3A_176 = tpu.memref_slice %arg8[%add3A_112, %dma_wait3A_175] : memref<10000x64xf32, #tpu.memory_space<vmem_shared>> -> memref<25x64xf32, #tpu.memory_space<vmem_shared>>
      %dma_wait3A_177 = arith.constant 0 : i32
      %dma_wait3A_178 = tpu.memref_slice %arg8[%add3A_112, %dma_wait3A_177] : memref<10000x64xf32, #tpu.memory_space<vmem_shared>> -> memref<25x64xf32, #tpu.memory_space<vmem_shared>>
      tpu.wait_dma2 semaphore(%run_scoped3A : memref<!tpu.dma_semaphore, #tpu.memory_space<semaphore_mem>>) src(%arg13 : memref<25x64xf32, #tpu.memory_space<vmem>>) dst(%dma_wait3A_178 : memref<25x64xf32, #tpu.memory_space<vmem_shared>>)
      tpu.yield
    }) : () -> ()
    %barrier3A = arith.constant 0 : index
    tpu.barrier barrier_id(%barrier3A)
    %dma_start3A = arith.constant 0 : i32
    %dma_start3A_113 = arith.constant 0 : i32
    %dma_start3A_114 = arith.constant 0 : i32
    %dma_start3A_115 = arith.constant 0 : i32
    %dma_start3A_116 = tpu.memref_slice %arg12[%dma_start3A_113, %dma_start3A_114, %dma_start3A_115] : memref<4x80x64xf32, #tpu.memory_space<vmem>> -> memref<1x80x64xf32, #tpu.memory_space<vmem>>
    %dma_start3A_117 = tpu.memref_squeeze %dma_start3A_116 : memref<1x80x64xf32, #tpu.memory_space<vmem>> -> memref<80x64xf32, #tpu.memory_space<vmem>>
    %dma_start3A_118 = arith.constant 0 : i32
    %dma_start3A_119 = tpu.memref_slice %arg9[%dma_start3A, %dma_start3A_118] : memref<250x80xi32, #tpu.memory_space<vmem>> -> memref<1x80xi32, #tpu.memory_space<vmem>>
    %dma_start3A_120 = tpu.memref_squeeze %dma_start3A_119 : memref<1x80xi32, #tpu.memory_space<vmem>> -> memref<80xi32, #tpu.memory_space<vmem>>
    %dma_start3A_121 = arith.constant 0 : i32
    %dma_start3A_122 = arith.constant 0 : i32
    %dma_start3A_123 = tpu.memref_slice %arg2[%dma_start3A_121, %dma_start3A_122] : memref<20000x64xf32, #tpu.memory_space<hbm>> -> memref<20000x64xf32, #tpu.memory_space<hbm>>
    tpu.enqueue_indirect_dma source(%dma_start3A_123 : memref<20000x64xf32, #tpu.memory_space<hbm>>) target(%dma_start3A_117 : memref<80x64xf32, #tpu.memory_space<vmem>>) offsets(%dma_start3A_120 : memref<80xi32, #tpu.memory_space<vmem>>) semaphore(%arg15 : memref<!tpu.dma_semaphore, #tpu.memory_space<semaphore_mem>>)
    %dma_start3A_124 = arith.constant 1 : i32
    %dma_start3A_125 = arith.constant 1 : i32
    %dma_start3A_126 = arith.constant 0 : i32
    %dma_start3A_127 = arith.constant 0 : i32
    %dma_start3A_128 = tpu.memref_slice %arg12[%dma_start3A_125, %dma_start3A_126, %dma_start3A_127] : memref<4x80x64xf32, #tpu.memory_space<vmem>> -> memref<1x80x64xf32, #tpu.memory_space<vmem>>
    %dma_start3A_129 = tpu.memref_squeeze %dma_start3A_128 : memref<1x80x64xf32, #tpu.memory_space<vmem>> -> memref<80x64xf32, #tpu.memory_space<vmem>>
    %dma_start3A_130 = arith.constant 0 : i32
    %dma_start3A_131 = tpu.memref_slice %arg9[%dma_start3A_124, %dma_start3A_130] : memref<250x80xi32, #tpu.memory_space<vmem>> -> memref<1x80xi32, #tpu.memory_space<vmem>>
    %dma_start3A_132 = tpu.memref_squeeze %dma_start3A_131 : memref<1x80xi32, #tpu.memory_space<vmem>> -> memref<80xi32, #tpu.memory_space<vmem>>
    %dma_start3A_133 = arith.constant 0 : i32
    %dma_start3A_134 = arith.constant 0 : i32
    %dma_start3A_135 = tpu.memref_slice %arg2[%dma_start3A_133, %dma_start3A_134] : memref<20000x64xf32, #tpu.memory_space<hbm>> -> memref<20000x64xf32, #tpu.memory_space<hbm>>
    tpu.enqueue_indirect_dma source(%dma_start3A_135 : memref<20000x64xf32, #tpu.memory_space<hbm>>) target(%dma_start3A_129 : memref<80x64xf32, #tpu.memory_space<vmem>>) offsets(%dma_start3A_132 : memref<80xi32, #tpu.memory_space<vmem>>) semaphore(%arg15 : memref<!tpu.dma_semaphore, #tpu.memory_space<semaphore_mem>>)
    %dma_start3A_136 = arith.constant 2 : i32
    %dma_start3A_137 = arith.constant 2 : i32
    %dma_start3A_138 = arith.constant 0 : i32
    %dma_start3A_139 = arith.constant 0 : i32
    %dma_start3A_140 = tpu.memref_slice %arg12[%dma_start3A_137, %dma_start3A_138, %dma_start3A_139] : memref<4x80x64xf32, #tpu.memory_space<vmem>> -> memref<1x80x64xf32, #tpu.memory_space<vmem>>
    %dma_start3A_141 = tpu.memref_squeeze %dma_start3A_140 : memref<1x80x64xf32, #tpu.memory_space<vmem>> -> memref<80x64xf32, #tpu.memory_space<vmem>>
    %dma_start3A_142 = arith.constant 0 : i32
    %dma_start3A_143 = tpu.memref_slice %arg9[%dma_start3A_136, %dma_start3A_142] : memref<250x80xi32, #tpu.memory_space<vmem>> -> memref<1x80xi32, #tpu.memory_space<vmem>>
    %dma_start3A_144 = tpu.memref_squeeze %dma_start3A_143 : memref<1x80xi32, #tpu.memory_space<vmem>> -> memref<80xi32, #tpu.memory_space<vmem>>
    %dma_start3A_145 = arith.constant 0 : i32
    %dma_start3A_146 = arith.constant 0 : i32
    %dma_start3A_147 = tpu.memref_slice %arg2[%dma_start3A_145, %dma_start3A_146] : memref<20000x64xf32, #tpu.memory_space<hbm>> -> memref<20000x64xf32, #tpu.memory_space<hbm>>
    tpu.enqueue_indirect_dma source(%dma_start3A_147 : memref<20000x64xf32, #tpu.memory_space<hbm>>) target(%dma_start3A_141 : memref<80x64xf32, #tpu.memory_space<vmem>>) offsets(%dma_start3A_144 : memref<80xi32, #tpu.memory_space<vmem>>) semaphore(%arg15 : memref<!tpu.dma_semaphore, #tpu.memory_space<semaphore_mem>>)
    %scan3A_148 = arith.constant 0 : i32
    %scan3A_149 = arith.constant 0 : i32
    %scan3A_150 = arith.constant 250 : i32
    %scan3A_151 = arith.addi %scan3A_149, %scan3A_150 : i32
    %scan3A_152 = arith.constant 1 : i32
    scf.for %scan3A_171 = %scan3A_149 to %scan3A_151 step %scan3A_152  : i32 {
      %rem3A_172 = arith.constant 4 : i32
      %rem3A_173 = arith.remsi %scan3A_171, %rem3A_172 : i32
      %dma_wait3A_174 = arith.constant 0 : i32
      %dma_wait3A_175 = arith.constant 0 : i32
      %dma_wait3A_176 = tpu.memref_slice %arg12[%rem3A_173, %dma_wait3A_174, %dma_wait3A_175] : memref<4x80x64xf32, #tpu.memory_space<vmem>> -> memref<1x80x64xf32, #tpu.memory_space<vmem>>
      %dma_wait3A_177 = tpu.memref_squeeze %dma_wait3A_176 : memref<1x80x64xf32, #tpu.memory_space<vmem>> -> memref<80x64xf32, #tpu.memory_space<vmem>>
      %dma_wait3A_178 = arith.constant 0 : i32
      %dma_wait3A_179 = tpu.memref_slice %arg9[%scan3A_171, %dma_wait3A_178] : memref<250x80xi32, #tpu.memory_space<vmem>> -> memref<1x80xi32, #tpu.memory_space<vmem>>
      %dma_wait3A_180 = tpu.memref_squeeze %dma_wait3A_179 : memref<1x80xi32, #tpu.memory_space<vmem>> -> memref<80xi32, #tpu.memory_space<vmem>>
      %dma_wait3A_181 = arith.constant 0 : i32
      %dma_wait3A_182 = arith.constant 0 : i32
      %dma_wait3A_183 = tpu.memref_slice %arg2[%dma_wait3A_181, %dma_wait3A_182] : memref<20000x64xf32, #tpu.memory_space<hbm>> -> memref<20000x64xf32, #tpu.memory_space<hbm>>
      tpu.wait_indirect_dma semaphore(%arg15 : memref<!tpu.dma_semaphore, #tpu.memory_space<semaphore_mem>>) src(%dma_wait3A_183 : memref<20000x64xf32, #tpu.memory_space<hbm>>) dst(%dma_wait3A_177 : memref<80x64xf32, #tpu.memory_space<vmem>>)
      %gt3A = arith.constant 0 : i32
      %gt3A_184 = arith.cmpi sgt, %scan3A_171, %gt3A : i32
      %convert_element_type3A = arith.extui %gt3A_184 : i1 to i32
      %cond3A = arith.constant 0 : i32
      %cond3A_185 = arith.cmpi ne, %convert_element_type3A, %cond3A : i32
      scf.if %cond3A_185 {
        %sub3A = arith.constant 1 : i32
        %sub3A_206 = arith.subi %scan3A_171, %sub3A : i32
        %add3A_207 = arith.constant 3 : i32
        %add3A_208 = arith.addi %scan3A_171, %add3A_207 : i32
        %rem3A_209 = arith.constant 4 : i32
        %rem3A_210 = arith.remsi %add3A_208, %rem3A_209 : i32
        %dma_wait3A_211 = arith.constant 0 : i32
        %dma_wait3A_212 = arith.constant 0 : i32
        %dma_wait3A_213 = tpu.memref_slice %arg12[%rem3A_210, %dma_wait3A_211, %dma_wait3A_212] : memref<4x80x64xf32, #tpu.memory_space<vmem>> -> memref<1x80x64xf32, #tpu.memory_space<vmem>>
        %dma_wait3A_214 = tpu.memref_squeeze %dma_wait3A_213 : memref<1x80x64xf32, #tpu.memory_space<vmem>> -> memref<80x64xf32, #tpu.memory_space<vmem>>
        %dma_wait3A_215 = arith.constant 0 : i32
        %dma_wait3A_216 = tpu.memref_slice %arg10[%sub3A_206, %dma_wait3A_215] : memref<250x80xi32, #tpu.memory_space<vmem>> -> memref<1x80xi32, #tpu.memory_space<vmem>>
        %dma_wait3A_217 = tpu.memref_squeeze %dma_wait3A_216 : memref<1x80xi32, #tpu.memory_space<vmem>> -> memref<80xi32, #tpu.memory_space<vmem>>
        %dma_wait3A_218 = arith.constant 0 : i32
        %dma_wait3A_219 = arith.constant 0 : i32
        %dma_wait3A_220 = tpu.memref_slice %arg8[%dma_wait3A_218, %dma_wait3A_219] : memref<10000x64xf32, #tpu.memory_space<vmem_shared>> -> memref<10000x64xf32, #tpu.memory_space<vmem_shared>>
        tpu.wait_indirect_dma semaphore(%arg16 : memref<!tpu.dma_semaphore, #tpu.memory_space<semaphore_mem>>) src(%dma_wait3A_214 : memref<80x64xf32, #tpu.memory_space<vmem>>) dst(%dma_wait3A_220 : memref<10000x64xf32, #tpu.memory_space<vmem_shared>>)
      } else {
      }
      %lt3A = arith.constant 247 : i32
      %lt3A_186 = arith.cmpi slt, %scan3A_171, %lt3A : i32
      %convert_element_type3A_187 = arith.extui %lt3A_186 : i1 to i32
      %cond3A_188 = arith.constant 0 : i32
      %cond3A_189 = arith.cmpi ne, %convert_element_type3A_187, %cond3A_188 : i32
      scf.if %cond3A_189 {
        %add3A_206 = arith.constant 3 : i32
        %add3A_207 = arith.addi %scan3A_171, %add3A_206 : i32
        %add3A_208 = arith.constant 3 : i32
        %add3A_209 = arith.addi %scan3A_171, %add3A_208 : i32
        %rem3A_210 = arith.constant 4 : i32
        %rem3A_211 = arith.remsi %add3A_209, %rem3A_210 : i32
        %dma_start3A_212 = arith.constant 0 : i32
        %dma_start3A_213 = arith.constant 0 : i32
        %dma_start3A_214 = tpu.memref_slice %arg12[%rem3A_211, %dma_start3A_212, %dma_start3A_213] : memref<4x80x64xf32, #tpu.memory_space<vmem>> -> memref<1x80x64xf32, #tpu.memory_space<vmem>>
        %dma_start3A_215 = tpu.memref_squeeze %dma_start3A_214 : memref<1x80x64xf32, #tpu.memory_space<vmem>> -> memref<80x64xf32, #tpu.memory_space<vmem>>
        %dma_start3A_216 = arith.constant 0 : i32
        %dma_start3A_217 = tpu.memref_slice %arg9[%add3A_207, %dma_start3A_216] : memref<250x80xi32, #tpu.memory_space<vmem>> -> memref<1x80xi32, #tpu.memory_space<vmem>>
        %dma_start3A_218 = tpu.memref_squeeze %dma_start3A_217 : memref<1x80xi32, #tpu.memory_space<vmem>> -> memref<80xi32, #tpu.memory_space<vmem>>
        %dma_start3A_219 = arith.constant 0 : i32
        %dma_start3A_220 = arith.constant 0 : i32
        %dma_start3A_221 = tpu.memref_slice %arg2[%dma_start3A_219, %dma_start3A_220] : memref<20000x64xf32, #tpu.memory_space<hbm>> -> memref<20000x64xf32, #tpu.memory_space<hbm>>
        tpu.enqueue_indirect_dma source(%dma_start3A_221 : memref<20000x64xf32, #tpu.memory_space<hbm>>) target(%dma_start3A_215 : memref<80x64xf32, #tpu.memory_space<vmem>>) offsets(%dma_start3A_218 : memref<80xi32, #tpu.memory_space<vmem>>) semaphore(%arg15 : memref<!tpu.dma_semaphore, #tpu.memory_space<semaphore_mem>>)
      } else {
      }
      %scan3A_190 = arith.constant 0 : i32
      %scan3A_191 = arith.constant 0 : i32
      %scan3A_192 = arith.constant 10 : i32
      %scan3A_193 = arith.addi %scan3A_191, %scan3A_192 : i32
      %scan3A_194 = arith.constant 1 : i32
      scf.for %scan3A_206 = %scan3A_191 to %scan3A_193 step %scan3A_194  : i32 {
        %mul3A_207 = arith.constant 8 : i32
        %mul3A_208 = arith.muli %scan3A_206, %mul3A_207 : i32
        %add3A_209 = arith.constant 0 : i32
        %add3A_210 = arith.addi %mul3A_208, %add3A_209 : i32
        %broadcast_in_dim3A = vector.broadcast %scan3A_171 : i32 to vector<16xi32>
        %broadcast_in_dim3A_211 = vector.broadcast %add3A_210 : i32 to vector<16xi32>
        %gather3A = tpu.vector_load_idx %arg11[%broadcast_in_dim3A, %broadcast_in_dim3A_211] : memref<250x80xf32, #tpu.memory_space<vmem>>[vector<16xi32>, vector<16xi32>], vector<16xf32>,
        %get3A = arith.index_cast %rem3A_173 : i32 to index
        %get3A_212 = arith.index_cast %add3A_210 : i32 to index
        %get3A_213 = arith.constant 0 : index
        %get3A_214 = tpu.vector_load %arg12[%get3A, %get3A_212, %get3A_213] {strides = array<i32>} : memref<4x80x64xf32, #tpu.memory_space<vmem>>, vector<16xf32>,
        %mul3A_215 = arith.mulf %get3A_214, %gather3A : vector<16xf32>
        %swap3A = arith.index_cast %rem3A_173 : i32 to index
        %swap3A_216 = arith.index_cast %add3A_210 : i32 to index
        %swap3A_217 = arith.constant 0 : index
        %swap3A_218 = tpu.vector_load %arg12[%swap3A, %swap3A_216, %swap3A_217] {strides = array<i32>} : memref<4x80x64xf32, #tpu.memory_space<vmem>>, vector<16xf32>,
        tpu.vector_store %arg12[%swap3A, %swap3A_216, %swap3A_217], %mul3A_215 {strides = array<i32>} : memref<4x80x64xf32, #tpu.memory_space<vmem>>, vector<16xf32>,
        %get3A_219 = arith.index_cast %rem3A_173 : i32 to index
        %get3A_220 = arith.index_cast %add3A_210 : i32 to index
        %get3A_221 = arith.constant 16 : index
        %get3A_222 = tpu.vector_load %arg12[%get3A_219, %get3A_220, %get3A_221] {strides = array<i32>} : memref<4x80x64xf32, #tpu.memory_space<vmem>>, vector<16xf32>,
        %mul3A_223 = arith.mulf %get3A_222, %gather3A : vector<16xf32>
        %swap3A_224 = arith.index_cast %rem3A_173 : i32 to index
        %swap3A_225 = arith.index_cast %add3A_210 : i32 to index
        %swap3A_226 = arith.constant 16 : index
        %swap3A_227 = tpu.vector_load %arg12[%swap3A_224, %swap3A_225, %swap3A_226] {strides = array<i32>} : memref<4x80x64xf32, #tpu.memory_space<vmem>>, vector<16xf32>,
        tpu.vector_store %arg12[%swap3A_224, %swap3A_225, %swap3A_226], %mul3A_223 {strides = array<i32>} : memref<4x80x64xf32, #tpu.memory_space<vmem>>, vector<16xf32>,
        %get3A_228 = arith.index_cast %rem3A_173 : i32 to index
        %get3A_229 = arith.index_cast %add3A_210 : i32 to index
        %get3A_230 = arith.constant 32 : index
        %get3A_231 = tpu.vector_load %arg12[%get3A_228, %get3A_229, %get3A_230] {strides = array<i32>} : memref<4x80x64xf32, #tpu.memory_space<vmem>>, vector<16xf32>,
        %mul3A_232 = arith.mulf %get3A_231, %gather3A : vector<16xf32>
        %swap3A_233 = arith.index_cast %rem3A_173 : i32 to index
        %swap3A_234 = arith.index_cast %add3A_210 : i32 to index
        %swap3A_235 = arith.constant 32 : index
        %swap3A_236 = tpu.vector_load %arg12[%swap3A_233, %swap3A_234, %swap3A_235] {strides = array<i32>} : memref<4x80x64xf32, #tpu.memory_space<vmem>>, vector<16xf32>,
        tpu.vector_store %arg12[%swap3A_233, %swap3A_234, %swap3A_235], %mul3A_232 {strides = array<i32>} : memref<4x80x64xf32, #tpu.memory_space<vmem>>, vector<16xf32>,
        %get3A_237 = arith.index_cast %rem3A_173 : i32 to index
        %get3A_238 = arith.index_cast %add3A_210 : i32 to index
        %get3A_239 = arith.constant 48 : index
        %get3A_240 = tpu.vector_load %arg12[%get3A_237, %get3A_238, %get3A_239] {strides = array<i32>} : memref<4x80x64xf32, #tpu.memory_space<vmem>>, vector<16xf32>,
        %mul3A_241 = arith.mulf %get3A_240, %gather3A : vector<16xf32>
        %swap3A_242 = arith.index_cast %rem3A_173 : i32 to index
        %swap3A_243 = arith.index_cast %add3A_210 : i32 to index
        %swap3A_244 = arith.constant 48 : index
        %swap3A_245 = tpu.vector_load %arg12[%swap3A_242, %swap3A_243, %swap3A_244] {strides = array<i32>} : memref<4x80x64xf32, #tpu.memory_space<vmem>>, vector<16xf32>,
        tpu.vector_store %arg12[%swap3A_242, %swap3A_243, %swap3A_244], %mul3A_241 {strides = array<i32>} : memref<4x80x64xf32, #tpu.memory_space<vmem>>, vector<16xf32>,
        %mul3A_246 = arith.constant 8 : i32
        %mul3A_247 = arith.muli %scan3A_206, %mul3A_246 : i32
        %add3A_248 = arith.constant 1 : i32
        %add3A_249 = arith.addi %mul3A_247, %add3A_248 : i32
        %broadcast_in_dim3A_250 = vector.broadcast %scan3A_171 : i32 to vector<16xi32>
        %broadcast_in_dim3A_251 = vector.broadcast %add3A_249 : i32 to vector<16xi32>
        %gather3A_252 = tpu.vector_load_idx %arg11[%broadcast_in_dim3A_250, %broadcast_in_dim3A_251] : memref<250x80xf32, #tpu.memory_space<vmem>>[vector<16xi32>, vector<16xi32>], vector<16xf32>,
        %get3A_253 = arith.index_cast %rem3A_173 : i32 to index
        %get3A_254 = arith.index_cast %add3A_249 : i32 to index
        %get3A_255 = arith.constant 0 : index
        %get3A_256 = tpu.vector_load %arg12[%get3A_253, %get3A_254, %get3A_255] {strides = array<i32>} : memref<4x80x64xf32, #tpu.memory_space<vmem>>, vector<16xf32>,
        %mul3A_257 = arith.mulf %get3A_256, %gather3A_252 : vector<16xf32>
        %swap3A_258 = arith.index_cast %rem3A_173 : i32 to index
        %swap3A_259 = arith.index_cast %add3A_249 : i32 to index
        %swap3A_260 = arith.constant 0 : index
        %swap3A_261 = tpu.vector_load %arg12[%swap3A_258, %swap3A_259, %swap3A_260] {strides = array<i32>} : memref<4x80x64xf32, #tpu.memory_space<vmem>>, vector<16xf32>,
        tpu.vector_store %arg12[%swap3A_258, %swap3A_259, %swap3A_260], %mul3A_257 {strides = array<i32>} : memref<4x80x64xf32, #tpu.memory_space<vmem>>, vector<16xf32>,
        %get3A_262 = arith.index_cast %rem3A_173 : i32 to index
        %get3A_263 = arith.index_cast %add3A_249 : i32 to index
        %get3A_264 = arith.constant 16 : index
        %get3A_265 = tpu.vector_load %arg12[%get3A_262, %get3A_263, %get3A_264] {strides = array<i32>} : memref<4x80x64xf32, #tpu.memory_space<vmem>>, vector<16xf32>,
        %mul3A_266 = arith.mulf %get3A_265, %gather3A_252 : vector<16xf32>
        %swap3A_267 = arith.index_cast %rem3A_173 : i32 to index
        %swap3A_268 = arith.index_cast %add3A_249 : i32 to index
        %swap3A_269 = arith.constant 16 : index
        %swap3A_270 = tpu.vector_load %arg12[%swap3A_267, %swap3A_268, %swap3A_269] {strides = array<i32>} : memref<4x80x64xf32, #tpu.memory_space<vmem>>, vector<16xf32>,
        tpu.vector_store %arg12[%swap3A_267, %swap3A_268, %swap3A_269], %mul3A_266 {strides = array<i32>} : memref<4x80x64xf32, #tpu.memory_space<vmem>>, vector<16xf32>,
        %get3A_271 = arith.index_cast %rem3A_173 : i32 to index
        %get3A_272 = arith.index_cast %add3A_249 : i32 to index
        %get3A_273 = arith.constant 32 : index
        %get3A_274 = tpu.vector_load %arg12[%get3A_271, %get3A_272, %get3A_273] {strides = array<i32>} : memref<4x80x64xf32, #tpu.memory_space<vmem>>, vector<16xf32>,
        %mul3A_275 = arith.mulf %get3A_274, %gather3A_252 : vector<16xf32>
        %swap3A_276 = arith.index_cast %rem3A_173 : i32 to index
        %swap3A_277 = arith.index_cast %add3A_249 : i32 to index
        %swap3A_278 = arith.constant 32 : index
        %swap3A_279 = tpu.vector_load %arg12[%swap3A_276, %swap3A_277, %swap3A_278] {strides = array<i32>} : memref<4x80x64xf32, #tpu.memory_space<vmem>>, vector<16xf32>,
        tpu.vector_store %arg12[%swap3A_276, %swap3A_277, %swap3A_278], %mul3A_275 {strides = array<i32>} : memref<4x80x64xf32, #tpu.memory_space<vmem>>, vector<16xf32>,
        %get3A_280 = arith.index_cast %rem3A_173 : i32 to index
        %get3A_281 = arith.index_cast %add3A_249 : i32 to index
        %get3A_282 = arith.constant 48 : index
        %get3A_283 = tpu.vector_load %arg12[%get3A_280, %get3A_281, %get3A_282] {strides = array<i32>} : memref<4x80x64xf32, #tpu.memory_space<vmem>>, vector<16xf32>,
        %mul3A_284 = arith.mulf %get3A_283, %gather3A_252 : vector<16xf32>
        %swap3A_285 = arith.index_cast %rem3A_173 : i32 to index
        %swap3A_286 = arith.index_cast %add3A_249 : i32 to index
        %swap3A_287 = arith.constant 48 : index
        %swap3A_288 = tpu.vector_load %arg12[%swap3A_285, %swap3A_286, %swap3A_287] {strides = array<i32>} : memref<4x80x64xf32, #tpu.memory_space<vmem>>, vector<16xf32>,
        tpu.vector_store %arg12[%swap3A_285, %swap3A_286, %swap3A_287], %mul3A_284 {strides = array<i32>} : memref<4x80x64xf32, #tpu.memory_space<vmem>>, vector<16xf32>,
        %mul3A_289 = arith.constant 8 : i32
        %mul3A_290 = arith.muli %scan3A_206, %mul3A_289 : i32
        %add3A_291 = arith.constant 2 : i32
        %add3A_292 = arith.addi %mul3A_290, %add3A_291 : i32
        %broadcast_in_dim3A_293 = vector.broadcast %scan3A_171 : i32 to vector<16xi32>
        %broadcast_in_dim3A_294 = vector.broadcast %add3A_292 : i32 to vector<16xi32>
        %gather3A_295 = tpu.vector_load_idx %arg11[%broadcast_in_dim3A_293, %broadcast_in_dim3A_294] : memref<250x80xf32, #tpu.memory_space<vmem>>[vector<16xi32>, vector<16xi32>], vector<16xf32>,
        %get3A_296 = arith.index_cast %rem3A_173 : i32 to index
        %get3A_297 = arith.index_cast %add3A_292 : i32 to index
        %get3A_298 = arith.constant 0 : index
        %get3A_299 = tpu.vector_load %arg12[%get3A_296, %get3A_297, %get3A_298] {strides = array<i32>} : memref<4x80x64xf32, #tpu.memory_space<vmem>>, vector<16xf32>,
        %mul3A_300 = arith.mulf %get3A_299, %gather3A_295 : vector<16xf32>
        %swap3A_301 = arith.index_cast %rem3A_173 : i32 to index
        %swap3A_302 = arith.index_cast %add3A_292 : i32 to index
        %swap3A_303 = arith.constant 0 : index
        %swap3A_304 = tpu.vector_load %arg12[%swap3A_301, %swap3A_302, %swap3A_303] {strides = array<i32>} : memref<4x80x64xf32, #tpu.memory_space<vmem>>, vector<16xf32>,
        tpu.vector_store %arg12[%swap3A_301, %swap3A_302, %swap3A_303], %mul3A_300 {strides = array<i32>} : memref<4x80x64xf32, #tpu.memory_space<vmem>>, vector<16xf32>,
        %get3A_305 = arith.index_cast %rem3A_173 : i32 to index
        %get3A_306 = arith.index_cast %add3A_292 : i32 to index
        %get3A_307 = arith.constant 16 : index
        %get3A_308 = tpu.vector_load %arg12[%get3A_305, %get3A_306, %get3A_307] {strides = array<i32>} : memref<4x80x64xf32, #tpu.memory_space<vmem>>, vector<16xf32>,
        %mul3A_309 = arith.mulf %get3A_308, %gather3A_295 : vector<16xf32>
        %swap3A_310 = arith.index_cast %rem3A_173 : i32 to index
        %swap3A_311 = arith.index_cast %add3A_292 : i32 to index
        %swap3A_312 = arith.constant 16 : index
        %swap3A_313 = tpu.vector_load %arg12[%swap3A_310, %swap3A_311, %swap3A_312] {strides = array<i32>} : memref<4x80x64xf32, #tpu.memory_space<vmem>>, vector<16xf32>,
        tpu.vector_store %arg12[%swap3A_310, %swap3A_311, %swap3A_312], %mul3A_309 {strides = array<i32>} : memref<4x80x64xf32, #tpu.memory_space<vmem>>, vector<16xf32>,
        %get3A_314 = arith.index_cast %rem3A_173 : i32 to index
        %get3A_315 = arith.index_cast %add3A_292 : i32 to index
        %get3A_316 = arith.constant 32 : index
        %get3A_317 = tpu.vector_load %arg12[%get3A_314, %get3A_315, %get3A_316] {strides = array<i32>} : memref<4x80x64xf32, #tpu.memory_space<vmem>>, vector<16xf32>,
        %mul3A_318 = arith.mulf %get3A_317, %gather3A_295 : vector<16xf32>
        %swap3A_319 = arith.index_cast %rem3A_173 : i32 to index
        %swap3A_320 = arith.index_cast %add3A_292 : i32 to index
        %swap3A_321 = arith.constant 32 : index
        %swap3A_322 = tpu.vector_load %arg12[%swap3A_319, %swap3A_320, %swap3A_321] {strides = array<i32>} : memref<4x80x64xf32, #tpu.memory_space<vmem>>, vector<16xf32>,
        tpu.vector_store %arg12[%swap3A_319, %swap3A_320, %swap3A_321], %mul3A_318 {strides = array<i32>} : memref<4x80x64xf32, #tpu.memory_space<vmem>>, vector<16xf32>,
        %get3A_323 = arith.index_cast %rem3A_173 : i32 to index
        %get3A_324 = arith.index_cast %add3A_292 : i32 to index
        %get3A_325 = arith.constant 48 : index
        %get3A_326 = tpu.vector_load %arg12[%get3A_323, %get3A_324, %get3A_325] {strides = array<i32>} : memref<4x80x64xf32, #tpu.memory_space<vmem>>, vector<16xf32>,
        %mul3A_327 = arith.mulf %get3A_326, %gather3A_295 : vector<16xf32>
        %swap3A_328 = arith.index_cast %rem3A_173 : i32 to index
        %swap3A_329 = arith.index_cast %add3A_292 : i32 to index
        %swap3A_330 = arith.constant 48 : index
        %swap3A_331 = tpu.vector_load %arg12[%swap3A_328, %swap3A_329, %swap3A_330] {strides = array<i32>} : memref<4x80x64xf32, #tpu.memory_space<vmem>>, vector<16xf32>,
        tpu.vector_store %arg12[%swap3A_328, %swap3A_329, %swap3A_330], %mul3A_327 {strides = array<i32>} : memref<4x80x64xf32, #tpu.memory_space<vmem>>, vector<16xf32>,
        %mul3A_332 = arith.constant 8 : i32
        %mul3A_333 = arith.muli %scan3A_206, %mul3A_332 : i32
        %add3A_334 = arith.constant 3 : i32
        %add3A_335 = arith.addi %mul3A_333, %add3A_334 : i32
        %broadcast_in_dim3A_336 = vector.broadcast %scan3A_171 : i32 to vector<16xi32>
        %broadcast_in_dim3A_337 = vector.broadcast %add3A_335 : i32 to vector<16xi32>
        %gather3A_338 = tpu.vector_load_idx %arg11[%broadcast_in_dim3A_336, %broadcast_in_dim3A_337] : memref<250x80xf32, #tpu.memory_space<vmem>>[vector<16xi32>, vector<16xi32>], vector<16xf32>,
        %get3A_339 = arith.index_cast %rem3A_173 : i32 to index
        %get3A_340 = arith.index_cast %add3A_335 : i32 to index
        %get3A_341 = arith.constant 0 : index
        %get3A_342 = tpu.vector_load %arg12[%get3A_339, %get3A_340, %get3A_341] {strides = array<i32>} : memref<4x80x64xf32, #tpu.memory_space<vmem>>, vector<16xf32>,
        %mul3A_343 = arith.mulf %get3A_342, %gather3A_338 : vector<16xf32>
        %swap3A_344 = arith.index_cast %rem3A_173 : i32 to index
        %swap3A_345 = arith.index_cast %add3A_335 : i32 to index
        %swap3A_346 = arith.constant 0 : index
        %swap3A_347 = tpu.vector_load %arg12[%swap3A_344, %swap3A_345, %swap3A_346] {strides = array<i32>} : memref<4x80x64xf32, #tpu.memory_space<vmem>>, vector<16xf32>,
        tpu.vector_store %arg12[%swap3A_344, %swap3A_345, %swap3A_346], %mul3A_343 {strides = array<i32>} : memref<4x80x64xf32, #tpu.memory_space<vmem>>, vector<16xf32>,
        %get3A_348 = arith.index_cast %rem3A_173 : i32 to index
        %get3A_349 = arith.index_cast %add3A_335 : i32 to index
        %get3A_350 = arith.constant 16 : index
        %get3A_351 = tpu.vector_load %arg12[%get3A_348, %get3A_349, %get3A_350] {strides = array<i32>} : memref<4x80x64xf32, #tpu.memory_space<vmem>>, vector<16xf32>,
        %mul3A_352 = arith.mulf %get3A_351, %gather3A_338 : vector<16xf32>
        %swap3A_353 = arith.index_cast %rem3A_173 : i32 to index
        %swap3A_354 = arith.index_cast %add3A_335 : i32 to index
        %swap3A_355 = arith.constant 16 : index
        %swap3A_356 = tpu.vector_load %arg12[%swap3A_353, %swap3A_354, %swap3A_355] {strides = array<i32>} : memref<4x80x64xf32, #tpu.memory_space<vmem>>, vector<16xf32>,
        tpu.vector_store %arg12[%swap3A_353, %swap3A_354, %swap3A_355], %mul3A_352 {strides = array<i32>} : memref<4x80x64xf32, #tpu.memory_space<vmem>>, vector<16xf32>,
        %get3A_357 = arith.index_cast %rem3A_173 : i32 to index
        %get3A_358 = arith.index_cast %add3A_335 : i32 to index
        %get3A_359 = arith.constant 32 : index
        %get3A_360 = tpu.vector_load %arg12[%get3A_357, %get3A_358, %get3A_359] {strides = array<i32>} : memref<4x80x64xf32, #tpu.memory_space<vmem>>, vector<16xf32>,
        %mul3A_361 = arith.mulf %get3A_360, %gather3A_338 : vector<16xf32>
        %swap3A_362 = arith.index_cast %rem3A_173 : i32 to index
        %swap3A_363 = arith.index_cast %add3A_335 : i32 to index
        %swap3A_364 = arith.constant 32 : index
        %swap3A_365 = tpu.vector_load %arg12[%swap3A_362, %swap3A_363, %swap3A_364] {strides = array<i32>} : memref<4x80x64xf32, #tpu.memory_space<vmem>>, vector<16xf32>,
        tpu.vector_store %arg12[%swap3A_362, %swap3A_363, %swap3A_364], %mul3A_361 {strides = array<i32>} : memref<4x80x64xf32, #tpu.memory_space<vmem>>, vector<16xf32>,
        %get3A_366 = arith.index_cast %rem3A_173 : i32 to index
        %get3A_367 = arith.index_cast %add3A_335 : i32 to index
        %get3A_368 = arith.constant 48 : index
        %get3A_369 = tpu.vector_load %arg12[%get3A_366, %get3A_367, %get3A_368] {strides = array<i32>} : memref<4x80x64xf32, #tpu.memory_space<vmem>>, vector<16xf32>,
        %mul3A_370 = arith.mulf %get3A_369, %gather3A_338 : vector<16xf32>
        %swap3A_371 = arith.index_cast %rem3A_173 : i32 to index
        %swap3A_372 = arith.index_cast %add3A_335 : i32 to index
        %swap3A_373 = arith.constant 48 : index
        %swap3A_374 = tpu.vector_load %arg12[%swap3A_371, %swap3A_372, %swap3A_373] {strides = array<i32>} : memref<4x80x64xf32, #tpu.memory_space<vmem>>, vector<16xf32>,
        tpu.vector_store %arg12[%swap3A_371, %swap3A_372, %swap3A_373], %mul3A_370 {strides = array<i32>} : memref<4x80x64xf32, #tpu.memory_space<vmem>>, vector<16xf32>,
        %mul3A_375 = arith.constant 8 : i32
        %mul3A_376 = arith.muli %scan3A_206, %mul3A_375 : i32
        %add3A_377 = arith.constant 4 : i32
        %add3A_378 = arith.addi %mul3A_376, %add3A_377 : i32
        %broadcast_in_dim3A_379 = vector.broadcast %scan3A_171 : i32 to vector<16xi32>
        %broadcast_in_dim3A_380 = vector.broadcast %add3A_378 : i32 to vector<16xi32>
        %gather3A_381 = tpu.vector_load_idx %arg11[%broadcast_in_dim3A_379, %broadcast_in_dim3A_380] : memref<250x80xf32, #tpu.memory_space<vmem>>[vector<16xi32>, vector<16xi32>], vector<16xf32>,
        %get3A_382 = arith.index_cast %rem3A_173 : i32 to index
        %get3A_383 = arith.index_cast %add3A_378 : i32 to index
        %get3A_384 = arith.constant 0 : index
        %get3A_385 = tpu.vector_load %arg12[%get3A_382, %get3A_383, %get3A_384] {strides = array<i32>} : memref<4x80x64xf32, #tpu.memory_space<vmem>>, vector<16xf32>,
        %mul3A_386 = arith.mulf %get3A_385, %gather3A_381 : vector<16xf32>
        %swap3A_387 = arith.index_cast %rem3A_173 : i32 to index
        %swap3A_388 = arith.index_cast %add3A_378 : i32 to index
        %swap3A_389 = arith.constant 0 : index
        %swap3A_390 = tpu.vector_load %arg12[%swap3A_387, %swap3A_388, %swap3A_389] {strides = array<i32>} : memref<4x80x64xf32, #tpu.memory_space<vmem>>, vector<16xf32>,
        tpu.vector_store %arg12[%swap3A_387, %swap3A_388, %swap3A_389], %mul3A_386 {strides = array<i32>} : memref<4x80x64xf32, #tpu.memory_space<vmem>>, vector<16xf32>,
        %get3A_391 = arith.index_cast %rem3A_173 : i32 to index
        %get3A_392 = arith.index_cast %add3A_378 : i32 to index
        %get3A_393 = arith.constant 16 : index
        %get3A_394 = tpu.vector_load %arg12[%get3A_391, %get3A_392, %get3A_393] {strides = array<i32>} : memref<4x80x64xf32, #tpu.memory_space<vmem>>, vector<16xf32>,
        %mul3A_395 = arith.mulf %get3A_394, %gather3A_381 : vector<16xf32>
        %swap3A_396 = arith.index_cast %rem3A_173 : i32 to index
        %swap3A_397 = arith.index_cast %add3A_378 : i32 to index
        %swap3A_398 = arith.constant 16 : index
        %swap3A_399 = tpu.vector_load %arg12[%swap3A_396, %swap3A_397, %swap3A_398] {strides = array<i32>} : memref<4x80x64xf32, #tpu.memory_space<vmem>>, vector<16xf32>,
        tpu.vector_store %arg12[%swap3A_396, %swap3A_397, %swap3A_398], %mul3A_395 {strides = array<i32>} : memref<4x80x64xf32, #tpu.memory_space<vmem>>, vector<16xf32>,
        %get3A_400 = arith.index_cast %rem3A_173 : i32 to index
        %get3A_401 = arith.index_cast %add3A_378 : i32 to index
        %get3A_402 = arith.constant 32 : index
        %get3A_403 = tpu.vector_load %arg12[%get3A_400, %get3A_401, %get3A_402] {strides = array<i32>} : memref<4x80x64xf32, #tpu.memory_space<vmem>>, vector<16xf32>,
        %mul3A_404 = arith.mulf %get3A_403, %gather3A_381 : vector<16xf32>
        %swap3A_405 = arith.index_cast %rem3A_173 : i32 to index
        %swap3A_406 = arith.index_cast %add3A_378 : i32 to index
        %swap3A_407 = arith.constant 32 : index
        %swap3A_408 = tpu.vector_load %arg12[%swap3A_405, %swap3A_406, %swap3A_407] {strides = array<i32>} : memref<4x80x64xf32, #tpu.memory_space<vmem>>, vector<16xf32>,
        tpu.vector_store %arg12[%swap3A_405, %swap3A_406, %swap3A_407], %mul3A_404 {strides = array<i32>} : memref<4x80x64xf32, #tpu.memory_space<vmem>>, vector<16xf32>,
        %get3A_409 = arith.index_cast %rem3A_173 : i32 to index
        %get3A_410 = arith.index_cast %add3A_378 : i32 to index
        %get3A_411 = arith.constant 48 : index
        %get3A_412 = tpu.vector_load %arg12[%get3A_409, %get3A_410, %get3A_411] {strides = array<i32>} : memref<4x80x64xf32, #tpu.memory_space<vmem>>, vector<16xf32>,
        %mul3A_413 = arith.mulf %get3A_412, %gather3A_381 : vector<16xf32>
        %swap3A_414 = arith.index_cast %rem3A_173 : i32 to index
        %swap3A_415 = arith.index_cast %add3A_378 : i32 to index
        %swap3A_416 = arith.constant 48 : index
        %swap3A_417 = tpu.vector_load %arg12[%swap3A_414, %swap3A_415, %swap3A_416] {strides = array<i32>} : memref<4x80x64xf32, #tpu.memory_space<vmem>>, vector<16xf32>,
        tpu.vector_store %arg12[%swap3A_414, %swap3A_415, %swap3A_416], %mul3A_413 {strides = array<i32>} : memref<4x80x64xf32, #tpu.memory_space<vmem>>, vector<16xf32>,
        %mul3A_418 = arith.constant 8 : i32
        %mul3A_419 = arith.muli %scan3A_206, %mul3A_418 : i32
        %add3A_420 = arith.constant 5 : i32
        %add3A_421 = arith.addi %mul3A_419, %add3A_420 : i32
        %broadcast_in_dim3A_422 = vector.broadcast %scan3A_171 : i32 to vector<16xi32>
        %broadcast_in_dim3A_423 = vector.broadcast %add3A_421 : i32 to vector<16xi32>
        %gather3A_424 = tpu.vector_load_idx %arg11[%broadcast_in_dim3A_422, %broadcast_in_dim3A_423] : memref<250x80xf32, #tpu.memory_space<vmem>>[vector<16xi32>, vector<16xi32>], vector<16xf32>,
        %get3A_425 = arith.index_cast %rem3A_173 : i32 to index
        %get3A_426 = arith.index_cast %add3A_421 : i32 to index
        %get3A_427 = arith.constant 0 : index
        %get3A_428 = tpu.vector_load %arg12[%get3A_425, %get3A_426, %get3A_427] {strides = array<i32>} : memref<4x80x64xf32, #tpu.memory_space<vmem>>, vector<16xf32>,
        %mul3A_429 = arith.mulf %get3A_428, %gather3A_424 : vector<16xf32>
        %swap3A_430 = arith.index_cast %rem3A_173 : i32 to index
        %swap3A_431 = arith.index_cast %add3A_421 : i32 to index
        %swap3A_432 = arith.constant 0 : index
        %swap3A_433 = tpu.vector_load %arg12[%swap3A_430, %swap3A_431, %swap3A_432] {strides = array<i32>} : memref<4x80x64xf32, #tpu.memory_space<vmem>>, vector<16xf32>,
        tpu.vector_store %arg12[%swap3A_430, %swap3A_431, %swap3A_432], %mul3A_429 {strides = array<i32>} : memref<4x80x64xf32, #tpu.memory_space<vmem>>, vector<16xf32>,
        %get3A_434 = arith.index_cast %rem3A_173 : i32 to index
        %get3A_435 = arith.index_cast %add3A_421 : i32 to index
        %get3A_436 = arith.constant 16 : index
        %get3A_437 = tpu.vector_load %arg12[%get3A_434, %get3A_435, %get3A_436] {strides = array<i32>} : memref<4x80x64xf32, #tpu.memory_space<vmem>>, vector<16xf32>,
        %mul3A_438 = arith.mulf %get3A_437, %gather3A_424 : vector<16xf32>
        %swap3A_439 = arith.index_cast %rem3A_173 : i32 to index
        %swap3A_440 = arith.index_cast %add3A_421 : i32 to index
        %swap3A_441 = arith.constant 16 : index
        %swap3A_442 = tpu.vector_load %arg12[%swap3A_439, %swap3A_440, %swap3A_441] {strides = array<i32>} : memref<4x80x64xf32, #tpu.memory_space<vmem>>, vector<16xf32>,
        tpu.vector_store %arg12[%swap3A_439, %swap3A_440, %swap3A_441], %mul3A_438 {strides = array<i32>} : memref<4x80x64xf32, #tpu.memory_space<vmem>>, vector<16xf32>,
        %get3A_443 = arith.index_cast %rem3A_173 : i32 to index
        %get3A_444 = arith.index_cast %add3A_421 : i32 to index
        %get3A_445 = arith.constant 32 : index
        %get3A_446 = tpu.vector_load %arg12[%get3A_443, %get3A_444, %get3A_445] {strides = array<i32>} : memref<4x80x64xf32, #tpu.memory_space<vmem>>, vector<16xf32>,
        %mul3A_447 = arith.mulf %get3A_446, %gather3A_424 : vector<16xf32>
        %swap3A_448 = arith.index_cast %rem3A_173 : i32 to index
        %swap3A_449 = arith.index_cast %add3A_421 : i32 to index
        %swap3A_450 = arith.constant 32 : index
        %swap3A_451 = tpu.vector_load %arg12[%swap3A_448, %swap3A_449, %swap3A_450] {strides = array<i32>} : memref<4x80x64xf32, #tpu.memory_space<vmem>>, vector<16xf32>,
        tpu.vector_store %arg12[%swap3A_448, %swap3A_449, %swap3A_450], %mul3A_447 {strides = array<i32>} : memref<4x80x64xf32, #tpu.memory_space<vmem>>, vector<16xf32>,
        %get3A_452 = arith.index_cast %rem3A_173 : i32 to index
        %get3A_453 = arith.index_cast %add3A_421 : i32 to index
        %get3A_454 = arith.constant 48 : index
        %get3A_455 = tpu.vector_load %arg12[%get3A_452, %get3A_453, %get3A_454] {strides = array<i32>} : memref<4x80x64xf32, #tpu.memory_space<vmem>>, vector<16xf32>,
        %mul3A_456 = arith.mulf %get3A_455, %gather3A_424 : vector<16xf32>
        %swap3A_457 = arith.index_cast %rem3A_173 : i32 to index
        %swap3A_458 = arith.index_cast %add3A_421 : i32 to index
        %swap3A_459 = arith.constant 48 : index
        %swap3A_460 = tpu.vector_load %arg12[%swap3A_457, %swap3A_458, %swap3A_459] {strides = array<i32>} : memref<4x80x64xf32, #tpu.memory_space<vmem>>, vector<16xf32>,
        tpu.vector_store %arg12[%swap3A_457, %swap3A_458, %swap3A_459], %mul3A_456 {strides = array<i32>} : memref<4x80x64xf32, #tpu.memory_space<vmem>>, vector<16xf32>,
        %mul3A_461 = arith.constant 8 : i32
        %mul3A_462 = arith.muli %scan3A_206, %mul3A_461 : i32
        %add3A_463 = arith.constant 6 : i32
        %add3A_464 = arith.addi %mul3A_462, %add3A_463 : i32
        %broadcast_in_dim3A_465 = vector.broadcast %scan3A_171 : i32 to vector<16xi32>
        %broadcast_in_dim3A_466 = vector.broadcast %add3A_464 : i32 to vector<16xi32>
        %gather3A_467 = tpu.vector_load_idx %arg11[%broadcast_in_dim3A_465, %broadcast_in_dim3A_466] : memref<250x80xf32, #tpu.memory_space<vmem>>[vector<16xi32>, vector<16xi32>], vector<16xf32>,
        %get3A_468 = arith.index_cast %rem3A_173 : i32 to index
        %get3A_469 = arith.index_cast %add3A_464 : i32 to index
        %get3A_470 = arith.constant 0 : index
        %get3A_471 = tpu.vector_load %arg12[%get3A_468, %get3A_469, %get3A_470] {strides = array<i32>} : memref<4x80x64xf32, #tpu.memory_space<vmem>>, vector<16xf32>,
        %mul3A_472 = arith.mulf %get3A_471, %gather3A_467 : vector<16xf32>
        %swap3A_473 = arith.index_cast %rem3A_173 : i32 to index
        %swap3A_474 = arith.index_cast %add3A_464 : i32 to index
        %swap3A_475 = arith.constant 0 : index
        %swap3A_476 = tpu.vector_load %arg12[%swap3A_473, %swap3A_474, %swap3A_475] {strides = array<i32>} : memref<4x80x64xf32, #tpu.memory_space<vmem>>, vector<16xf32>,
        tpu.vector_store %arg12[%swap3A_473, %swap3A_474, %swap3A_475], %mul3A_472 {strides = array<i32>} : memref<4x80x64xf32, #tpu.memory_space<vmem>>, vector<16xf32>,
        %get3A_477 = arith.index_cast %rem3A_173 : i32 to index
        %get3A_478 = arith.index_cast %add3A_464 : i32 to index
        %get3A_479 = arith.constant 16 : index
        %get3A_480 = tpu.vector_load %arg12[%get3A_477, %get3A_478, %get3A_479] {strides = array<i32>} : memref<4x80x64xf32, #tpu.memory_space<vmem>>, vector<16xf32>,
        %mul3A_481 = arith.mulf %get3A_480, %gather3A_467 : vector<16xf32>
        %swap3A_482 = arith.index_cast %rem3A_173 : i32 to index
        %swap3A_483 = arith.index_cast %add3A_464 : i32 to index
        %swap3A_484 = arith.constant 16 : index
        %swap3A_485 = tpu.vector_load %arg12[%swap3A_482, %swap3A_483, %swap3A_484] {strides = array<i32>} : memref<4x80x64xf32, #tpu.memory_space<vmem>>, vector<16xf32>,
        tpu.vector_store %arg12[%swap3A_482, %swap3A_483, %swap3A_484], %mul3A_481 {strides = array<i32>} : memref<4x80x64xf32, #tpu.memory_space<vmem>>, vector<16xf32>,
        %get3A_486 = arith.index_cast %rem3A_173 : i32 to index
        %get3A_487 = arith.index_cast %add3A_464 : i32 to index
        %get3A_488 = arith.constant 32 : index
        %get3A_489 = tpu.vector_load %arg12[%get3A_486, %get3A_487, %get3A_488] {strides = array<i32>} : memref<4x80x64xf32, #tpu.memory_space<vmem>>, vector<16xf32>,
        %mul3A_490 = arith.mulf %get3A_489, %gather3A_467 : vector<16xf32>
        %swap3A_491 = arith.index_cast %rem3A_173 : i32 to index
        %swap3A_492 = arith.index_cast %add3A_464 : i32 to index
        %swap3A_493 = arith.constant 32 : index
        %swap3A_494 = tpu.vector_load %arg12[%swap3A_491, %swap3A_492, %swap3A_493] {strides = array<i32>} : memref<4x80x64xf32, #tpu.memory_space<vmem>>, vector<16xf32>,
        tpu.vector_store %arg12[%swap3A_491, %swap3A_492, %swap3A_493], %mul3A_490 {strides = array<i32>} : memref<4x80x64xf32, #tpu.memory_space<vmem>>, vector<16xf32>,
        %get3A_495 = arith.index_cast %rem3A_173 : i32 to index
        %get3A_496 = arith.index_cast %add3A_464 : i32 to index
        %get3A_497 = arith.constant 48 : index
        %get3A_498 = tpu.vector_load %arg12[%get3A_495, %get3A_496, %get3A_497] {strides = array<i32>} : memref<4x80x64xf32, #tpu.memory_space<vmem>>, vector<16xf32>,
        %mul3A_499 = arith.mulf %get3A_498, %gather3A_467 : vector<16xf32>
        %swap3A_500 = arith.index_cast %rem3A_173 : i32 to index
        %swap3A_501 = arith.index_cast %add3A_464 : i32 to index
        %swap3A_502 = arith.constant 48 : index
        %swap3A_503 = tpu.vector_load %arg12[%swap3A_500, %swap3A_501, %swap3A_502] {strides = array<i32>} : memref<4x80x64xf32, #tpu.memory_space<vmem>>, vector<16xf32>,
        tpu.vector_store %arg12[%swap3A_500, %swap3A_501, %swap3A_502], %mul3A_499 {strides = array<i32>} : memref<4x80x64xf32, #tpu.memory_space<vmem>>, vector<16xf32>,
        %mul3A_504 = arith.constant 8 : i32
        %mul3A_505 = arith.muli %scan3A_206, %mul3A_504 : i32
        %add3A_506 = arith.constant 7 : i32
        %add3A_507 = arith.addi %mul3A_505, %add3A_506 : i32
        %broadcast_in_dim3A_508 = vector.broadcast %scan3A_171 : i32 to vector<16xi32>
        %broadcast_in_dim3A_509 = vector.broadcast %add3A_507 : i32 to vector<16xi32>
        %gather3A_510 = tpu.vector_load_idx %arg11[%broadcast_in_dim3A_508, %broadcast_in_dim3A_509] : memref<250x80xf32, #tpu.memory_space<vmem>>[vector<16xi32>, vector<16xi32>], vector<16xf32>,
        %get3A_511 = arith.index_cast %rem3A_173 : i32 to index
        %get3A_512 = arith.index_cast %add3A_507 : i32 to index
        %get3A_513 = arith.constant 0 : index
        %get3A_514 = tpu.vector_load %arg12[%get3A_511, %get3A_512, %get3A_513] {strides = array<i32>} : memref<4x80x64xf32, #tpu.memory_space<vmem>>, vector<16xf32>,
        %mul3A_515 = arith.mulf %get3A_514, %gather3A_510 : vector<16xf32>
        %swap3A_516 = arith.index_cast %rem3A_173 : i32 to index
        %swap3A_517 = arith.index_cast %add3A_507 : i32 to index
        %swap3A_518 = arith.constant 0 : index
        %swap3A_519 = tpu.vector_load %arg12[%swap3A_516, %swap3A_517, %swap3A_518] {strides = array<i32>} : memref<4x80x64xf32, #tpu.memory_space<vmem>>, vector<16xf32>,
        tpu.vector_store %arg12[%swap3A_516, %swap3A_517, %swap3A_518], %mul3A_515 {strides = array<i32>} : memref<4x80x64xf32, #tpu.memory_space<vmem>>, vector<16xf32>,
        %get3A_520 = arith.index_cast %rem3A_173 : i32 to index
        %get3A_521 = arith.index_cast %add3A_507 : i32 to index
        %get3A_522 = arith.constant 16 : index
        %get3A_523 = tpu.vector_load %arg12[%get3A_520, %get3A_521, %get3A_522] {strides = array<i32>} : memref<4x80x64xf32, #tpu.memory_space<vmem>>, vector<16xf32>,
        %mul3A_524 = arith.mulf %get3A_523, %gather3A_510 : vector<16xf32>
        %swap3A_525 = arith.index_cast %rem3A_173 : i32 to index
        %swap3A_526 = arith.index_cast %add3A_507 : i32 to index
        %swap3A_527 = arith.constant 16 : index
        %swap3A_528 = tpu.vector_load %arg12[%swap3A_525, %swap3A_526, %swap3A_527] {strides = array<i32>} : memref<4x80x64xf32, #tpu.memory_space<vmem>>, vector<16xf32>,
        tpu.vector_store %arg12[%swap3A_525, %swap3A_526, %swap3A_527], %mul3A_524 {strides = array<i32>} : memref<4x80x64xf32, #tpu.memory_space<vmem>>, vector<16xf32>,
        %get3A_529 = arith.index_cast %rem3A_173 : i32 to index
        %get3A_530 = arith.index_cast %add3A_507 : i32 to index
        %get3A_531 = arith.constant 32 : index
        %get3A_532 = tpu.vector_load %arg12[%get3A_529, %get3A_530, %get3A_531] {strides = array<i32>} : memref<4x80x64xf32, #tpu.memory_space<vmem>>, vector<16xf32>,
        %mul3A_533 = arith.mulf %get3A_532, %gather3A_510 : vector<16xf32>
        %swap3A_534 = arith.index_cast %rem3A_173 : i32 to index
        %swap3A_535 = arith.index_cast %add3A_507 : i32 to index
        %swap3A_536 = arith.constant 32 : index
        %swap3A_537 = tpu.vector_load %arg12[%swap3A_534, %swap3A_535, %swap3A_536] {strides = array<i32>} : memref<4x80x64xf32, #tpu.memory_space<vmem>>, vector<16xf32>,
        tpu.vector_store %arg12[%swap3A_534, %swap3A_535, %swap3A_536], %mul3A_533 {strides = array<i32>} : memref<4x80x64xf32, #tpu.memory_space<vmem>>, vector<16xf32>,
        %get3A_538 = arith.index_cast %rem3A_173 : i32 to index
        %get3A_539 = arith.index_cast %add3A_507 : i32 to index
        %get3A_540 = arith.constant 48 : index
        %get3A_541 = tpu.vector_load %arg12[%get3A_538, %get3A_539, %get3A_540] {strides = array<i32>} : memref<4x80x64xf32, #tpu.memory_space<vmem>>, vector<16xf32>,
        %mul3A_542 = arith.mulf %get3A_541, %gather3A_510 : vector<16xf32>
        %swap3A_543 = arith.index_cast %rem3A_173 : i32 to index
        %swap3A_544 = arith.index_cast %add3A_507 : i32 to index
        %swap3A_545 = arith.constant 48 : index
        %swap3A_546 = tpu.vector_load %arg12[%swap3A_543, %swap3A_544, %swap3A_545] {strides = array<i32>} : memref<4x80x64xf32, #tpu.memory_space<vmem>>, vector<16xf32>,
        tpu.vector_store %arg12[%swap3A_543, %swap3A_544, %swap3A_545], %mul3A_542 {strides = array<i32>} : memref<4x80x64xf32, #tpu.memory_space<vmem>>, vector<16xf32>,
      }
      %scan3A_195 = arith.constant 10 : i32
      %dma_start3A_196 = arith.constant 0 : i32
      %dma_start3A_197 = arith.constant 0 : i32
      %dma_start3A_198 = tpu.memref_slice %arg12[%rem3A_173, %dma_start3A_196, %dma_start3A_197] : memref<4x80x64xf32, #tpu.memory_space<vmem>> -> memref<1x80x64xf32, #tpu.memory_space<vmem>>
      %dma_start3A_199 = tpu.memref_squeeze %dma_start3A_198 : memref<1x80x64xf32, #tpu.memory_space<vmem>> -> memref<80x64xf32, #tpu.memory_space<vmem>>
      %dma_start3A_200 = arith.constant 0 : i32
      %dma_start3A_201 = tpu.memref_slice %arg10[%scan3A_171, %dma_start3A_200] : memref<250x80xi32, #tpu.memory_space<vmem>> -> memref<1x80xi32, #tpu.memory_space<vmem>>
      %dma_start3A_202 = tpu.memref_squeeze %dma_start3A_201 : memref<1x80xi32, #tpu.memory_space<vmem>> -> memref<80xi32, #tpu.memory_space<vmem>>
      %dma_start3A_203 = arith.constant 0 : i32
      %dma_start3A_204 = arith.constant 0 : i32
      %dma_start3A_205 = tpu.memref_slice %arg8[%dma_start3A_203, %dma_start3A_204] : memref<10000x64xf32, #tpu.memory_space<vmem_shared>> -> memref<10000x64xf32, #tpu.memory_space<vmem_shared>>
      tpu.enqueue_indirect_dma source(%dma_start3A_199 : memref<80x64xf32, #tpu.memory_space<vmem>>) target(%dma_start3A_205 : memref<10000x64xf32, #tpu.memory_space<vmem_shared>>) offsets(%dma_start3A_202 : memref<80xi32, #tpu.memory_space<vmem>>) semaphore(%arg16 : memref<!tpu.dma_semaphore, #tpu.memory_space<semaphore_mem>>) {add = true}
    }
    %scan3A_153 = arith.constant 250 : i32
    %rem3A = arith.constant 249 : i32
    %rem3A_154 = arith.constant 4 : i32
    %rem3A_155 = arith.remsi %rem3A, %rem3A_154 : i32
    %dma_wait3A = arith.constant 249 : i32
    %dma_wait3A_156 = arith.constant 0 : i32
    %dma_wait3A_157 = arith.constant 0 : i32
    %dma_wait3A_158 = tpu.memref_slice %arg12[%rem3A_155, %dma_wait3A_156, %dma_wait3A_157] : memref<4x80x64xf32, #tpu.memory_space<vmem>> -> memref<1x80x64xf32, #tpu.memory_space<vmem>>
    %dma_wait3A_159 = tpu.memref_squeeze %dma_wait3A_158 : memref<1x80x64xf32, #tpu.memory_space<vmem>> -> memref<80x64xf32, #tpu.memory_space<vmem>>
    %dma_wait3A_160 = arith.constant 0 : i32
    %dma_wait3A_161 = tpu.memref_slice %arg10[%dma_wait3A, %dma_wait3A_160] : memref<250x80xi32, #tpu.memory_space<vmem>> -> memref<1x80xi32, #tpu.memory_space<vmem>>
    %dma_wait3A_162 = tpu.memref_squeeze %dma_wait3A_161 : memref<1x80xi32, #tpu.memory_space<vmem>> -> memref<80xi32, #tpu.memory_space<vmem>>
    %dma_wait3A_163 = arith.constant 0 : i32
    %dma_wait3A_164 = arith.constant 0 : i32
    %dma_wait3A_165 = tpu.memref_slice %arg8[%dma_wait3A_163, %dma_wait3A_164] : memref<10000x64xf32, #tpu.memory_space<vmem_shared>> -> memref<10000x64xf32, #tpu.memory_space<vmem_shared>>
    tpu.wait_indirect_dma semaphore(%arg16 : memref<!tpu.dma_semaphore, #tpu.memory_space<semaphore_mem>>) src(%dma_wait3A_159 : memref<80x64xf32, #tpu.memory_space<vmem>>) dst(%dma_wait3A_165 : memref<10000x64xf32, #tpu.memory_space<vmem_shared>>)
    %barrier3A_166 = arith.constant 0 : index
    tpu.barrier barrier_id(%barrier3A_166)
    %mul3A_167 = arith.constant 625 : i32
    %mul3A_168 = arith.muli %arg1, %mul3A_167 : i32
    %mul3A_169 = arith.constant 625 : i32
    %mul3A_170 = arith.muli %arg1, %mul3A_169 : i32
    "tpu.region"() ({
      %run_scoped3A = tpu.sem_alloc : memref<!tpu.dma_semaphore, #tpu.memory_space<semaphore_mem>>
      %dma_start3A_171 = arith.constant 0 : i32
      %dma_start3A_172 = tpu.memref_slice %arg7[%mul3A_170, %arg0, %dma_start3A_171] : memref<10000x2x64xf32, #tpu.memory_space<hbm>> -> memref<625x1x64xf32, #tpu.memory_space<hbm>>
      %dma_start3A_173 = tpu.memref_squeeze %dma_start3A_172 : memref<625x1x64xf32, #tpu.memory_space<hbm>> -> memref<625x64xf32, #tpu.memory_space<hbm>>
      %dma_start3A_174 = arith.constant 0 : i32
      %dma_start3A_175 = tpu.memref_slice %arg8[%mul3A_168, %dma_start3A_174] : memref<10000x64xf32, #tpu.memory_space<vmem_shared>> -> memref<625x64xf32, #tpu.memory_space<vmem_shared>>
      tpu.enqueue_dma source(%dma_start3A_175 : memref<625x64xf32, #tpu.memory_space<vmem_shared>>) target(%dma_start3A_173 : memref<625x64xf32, #tpu.memory_space<hbm>>) target_semaphore(%run_scoped3A : memref<!tpu.dma_semaphore, #tpu.memory_space<semaphore_mem>>)
      %dma_wait3A_176 = arith.constant 0 : i32
      %dma_wait3A_177 = tpu.memref_slice %arg7[%mul3A_170, %arg0, %dma_wait3A_176] : memref<10000x2x64xf32, #tpu.memory_space<hbm>> -> memref<625x1x64xf32, #tpu.memory_space<hbm>>
      %dma_wait3A_178 = tpu.memref_squeeze %dma_wait3A_177 : memref<625x1x64xf32, #tpu.memory_space<hbm>> -> memref<625x64xf32, #tpu.memory_space<hbm>>
      %dma_wait3A_179 = arith.constant 0 : i32
      %dma_wait3A_180 = tpu.memref_slice %arg8[%mul3A_168, %dma_wait3A_179] : memref<10000x64xf32, #tpu.memory_space<vmem_shared>> -> memref<625x64xf32, #tpu.memory_space<vmem_shared>>
      tpu.wait_dma2 semaphore(%run_scoped3A : memref<!tpu.dma_semaphore, #tpu.memory_space<semaphore_mem>>) src(%dma_wait3A_180 : memref<625x64xf32, #tpu.memory_space<vmem_shared>>) dst(%dma_wait3A_178 : memref<625x64xf32, #tpu.memory_space<hbm>>)
      tpu.yield
    }) : () -> ()
    return
  }
}

module attributes {stable_mosaic.version = 14 : i64} {
  func.func @_mm_body(%arg0: i32, %arg1: i32, %arg2: memref<1000x128xf32, #tpu.memory_space<vmem>>, %arg3: memref<1x128x64xf32, #tpu.memory_space<vmem>>, %arg4: memref<1x1000x64xf32, #tpu.memory_space<vmem>>) attributes {dimension_semantics = [#tpu.dimension_semantics<arbitrary>, #tpu.dimension_semantics<arbitrary>], iteration_bounds = array<i64: 2, 10>, scalar_prefetch = 0 : i64, scratch_operands = 0 : i64, tpu.core_type = #tpu.core_type<tc>, window_params = [{transform_indices = @transform_0, window_bounds = array<i64: 1000, 128>}, {transform_indices = @transform_1, window_bounds = array<i64: 1, 128, 64>}, {transform_indices = @transform_2, window_bounds = array<i64: 1, 1000, 64>}]} {
    %get3A = arith.constant 0 : index
    %get3A_0 = arith.constant 0 : index
    %get3A_1 = vector.load %arg2[%get3A, %get3A_0] : memref<1000x128xf32, #tpu.memory_space<vmem>>, vector<1000x128xf32>
    %get3A_2 = arith.constant 0 : index
    %get3A_3 = arith.constant 0 : index
    %get3A_4 = arith.constant 0 : index
    %get3A_5 = vector.load %arg3[%get3A_2, %get3A_3, %get3A_4] : memref<1x128x64xf32, #tpu.memory_space<vmem>>, vector<1x128x64xf32>
    %get3A_6 = vector.shape_cast %get3A_5 : vector<1x128x64xf32> to vector<128x64xf32>
    %dot_general3A = arith.constant dense<0.000000e+00> : vector<1000x64xf32>
    %dot_general3A_7 = tpu.matmul %get3A_1, %get3A_6, %dot_general3A {dimension_numbers = #tpu.dot_dimension_numbers<[1], [0], [0], [1], [0, 0, 1, 1], [], []>, transpose_lhs_hint = false} : vector<1000x128xf32>, vector<128x64xf32>, vector<1000x64xf32> -> vector<1000x64xf32>
    %swap3A = arith.constant 0 : index
    %swap3A_8 = arith.constant 0 : index
    %swap3A_9 = arith.constant 0 : index
    %swap3A_10 = vector.load %arg4[%swap3A, %swap3A_8, %swap3A_9] : memref<1x1000x64xf32, #tpu.memory_space<vmem>>, vector<1x1000x64xf32>
    %swap3A_11 = vector.shape_cast %swap3A_10 : vector<1x1000x64xf32> to vector<1000x64xf32>
    %swap3A_12 = vector.shape_cast %dot_general3A_7 : vector<1000x64xf32> to vector<1x1000x64xf32>
    tpu.vector_store %arg4[%swap3A, %swap3A_8, %swap3A_9], %swap3A_12 {strides = array<i32>} : memref<1x1000x64xf32, #tpu.memory_space<vmem>>, vector<1x1000x64xf32>,
    return
  }
  func.func @transform_0(%arg0: i32, %arg1: i32) -> (i32, i32) {
    %c0_i32 = arith.constant 0 : i32
    %c0_i32_0 = arith.constant 0 : i32
    return %arg1, %c0_i32 : i32, i32
  }
  func.func @transform_1(%arg0: i32, %arg1: i32) -> (i32, i32, i32) {
    %c0_i32 = arith.constant 0 : i32
    %c0_i32_0 = arith.constant 0 : i32
    %c0_i32_1 = arith.constant 0 : i32
    return %arg0, %c0_i32, %c0_i32_0 : i32, i32, i32
  }
  func.func @transform_2(%arg0: i32, %arg1: i32) -> (i32, i32, i32) {
    %c0_i32 = arith.constant 0 : i32
    %c0_i32_0 = arith.constant 0 : i32
    return %arg0, %arg1, %c0_i32 : i32, i32, i32
  }
}

</mosaic_0001>

<sc_bundles>
// kernel: kernel.4.cloned.1.call-start
scs
__scs_entry_jumppad:
0x0: {  	(pc) =	sbr.rel $0x88, $3  }
0x1: {  	(tag) =	ssettag $0x0;
	lr =	simm.s32 $0x1  }
0x2: {  	[smem:$0x3F9C] =	sst lr;
	_ =	strace $0xD0000000  }
0x3: {  	_ = 	snop  }
0x4: {  	_ = 	snop  }
0x5: {  	_ = 	snop  }
0x6: {  	_ = 	snop  }
0x7: {  	_ = 	snop  }
__scs_overlays_trampoline_lowered:
0x8: {  	[smem:$0x3FAB] =	sst s0  }
0x9: {  	[smem:$0x3FAC] =	sst s1  }
0xa: {  	[smem:$0x3FAD] =	sst s2  }
0xb: {  	[smem:$0x3FAE] =	sst s3  }
0xc: {  	[smem:$0x3FAF] =	sst s4  }
0xd: {  	[smem:$0x3FB0] =	sst s5  }
0xe: {  	[smem:$0x3FB1] =	sst s6  }
0xf: {  	[smem:$0x3FB2] =	sst s7  }
0x10: {  	[smem:$0x3FB3] =	sst s8  }
0x11: {  	[smem:$0x3FB4] =	sst s9;
	s0 =	simm.s32 @!p0 $0x0  }
0x12: {  	s1 =	sld [smem:$0x3F9A];
	s0 =	simm.s32 @p0 $0x1  }
0x13: {  	[smem:$0x3FB5] =	sst s0;
	s0 =	simm.s32 @!p1 $0x0  }
0x14: {  	s2 =	sld [smem:$0x3F99];
	s0 =	simm.s32 @p1 $0x1  }
0x15: {  	[smem:$0x3FB6] =	sst s0;
	s0 =	simm.s32 @!p2 $0x0  }
0x16: {  	s3 =	sld [smem:$0x3FDB];
	s0 =	simm.s32 @p2 $0x1  }
0x17: {  	s4 =	simm.s32 $0x1BF5;
	[smem:$0x3FB8] =	sst s0  }
0x18: {  	s0 =	sld [smem:$0x3F9B];
	_ =	swait.ge [sflag:s4], $0x0  }
0x19: {  	s7 =	sld [smem:$0x3F9C]  }
0x1a: {  	s8 =	sadd.s32 $0xFFFFE003, lr  }
0x1b: {  	s9 =	sadd.s32 $0xFFFFFEF7, lr;
	s5 =	simm.s32 $0xFFFFFFFF;
	p2 =	slt.u32 s8, $0xFFFFF086  }
0x1c: {  	p1 =	slt.u32 s9, $0xF7A;
	s5 =	simm.s32 @!p2 $0x0  }
0x1d: {  	s5 =	simm.s32 @p1 $0x1;
	p0 =	seq.s32 s7, s2  }
0x1e: {  	s7 =	smul.u32 @!p0 $0xF7A, s2;
	p2 =	seq.s32 @!p0 s5, $0x0  }
0x1f: {  	s9 =	smul.u32 $0xF7A, s1;
	s8 =	simm.s32 @!p0 $0x1BF5;
	p2 =	por !p2, p0  }
0x20: {  	[sflag:s8] =	ssyncset.s32 @!p0 $0xFFFFF086;
	s6 =	sadd.s32 @!p0 s3, s7;
	s7 =	simm.s32 @!p0 $0x108  }
0x21: {  	s3 =	sadd.s32 s3, s9;
	s6 =	sadd.s32 @!p0 $0x88, s6;
	s7 =	simm.s32 @p2 $0x1082  }
0x22: {  	[simem:s7], [sflag:s8] =	dma.local @!p0 [hbm:s6], $0xF7A  }
0x23: {  	s9 =	sor.u32 $0xD0000000, s2;
	s6 =	simm.s32 $0x108;
	_ =	swait.ge @!p0 [sflag:s8], $0x0  }
0x24: {  	s3 =	sadd.s32 $0x88, s3;
	s6 =	simm.s32 @!p1 $0x1082;
	[sflag:s4] =	ssyncset.s32 $0xFFFFF086  }
0x25: {  	[simem:s6], [sflag:s4] =	dma.local [hbm:s3], $0xF7A  }
0x26: {  	[smem:$0x3F9C] =	sst s1;
	(tag) =	ssettag s2;
	_ =	strace s9  }
0x27: {  	s1 =	sld [smem:$0x3FAC]  }
0x28: {  	s2 =	sld [smem:$0x3FAD]  }
0x29: {  	s4 =	sld [smem:$0x3FAF]  }
0x2a: {  	p0 =	seq.s32 s5, $0x0;
	s5 =	sld [smem:$0x3FB0]  }
0x2b: {  	s6 =	sld [smem:$0x3FB1]  }
0x2c: {  	s7 =	sld [smem:$0x3FB2]  }
0x2d: {  	s3 =	simm.s32 $0x108;
	s8 =	sld [smem:$0x3FB3]  }
0x2e: {  	s3 =	simm.s32 @!p0 $0x1082;
	s9 =	sld [smem:$0x3FB4]  }
0x2f: {  	lr =	sadd.s32 s0, s3;
	s0 =	sld [smem:$0x3FAB]  }
0x30: {  	s3 =	sld [smem:$0x3FAE]  }
0x31: {  	[smem:$0x3FB7] =	sst s10  }
0x32: {  	s10 =	sld [smem:$0x3FB5];
	_ =	sdelay $0x3  }
0x33: {  	p0 =	seq.s32 s10, $0x1;
	s10 =	sld [smem:$0x3FB7];
	_ =	sdelay $0x3  }
0x34: {  	[smem:$0x3FB7] =	sst s10  }
0x35: {  	s10 =	sld [smem:$0x3FB6];
	_ =	sdelay $0x3  }
0x36: {  	p1 =	seq.s32 s10, $0x1;
	s10 =	sld [smem:$0x3FB7];
	_ =	sdelay $0x3  }
0x37: {  	[smem:$0x3FB7] =	sst s10  }
0x38: {  	s10 =	sld [smem:$0x3FB8]  }
0x39: {  	_ = 	snop;
	(pc) =	sbr.ind lr, $3  }
0x3a: {  	_ = 	snop  }
0x3b: {  	_ = 	snop  }
0x3c: {  	p2 =	seq.s32 s10, $0x1;
	s10 =	sld [smem:$0x3FB7]  }
0x3d: {  	_ =	shalt  }
0x3e: {  	_ =	shalt  }
0x3f: {  	_ =	shalt  }
0x40: {  	_ =	shalt  }
0x41: {  	_ =	shalt  }
0x42: {  	_ =	shalt  }
0x43: {  	_ =	shalt  }
0x44: {  	_ =	shalt  }
0x45: {  	_ =	shalt  }
0x46: {  	_ =	shalt  }
0x47: {  	_ =	shalt  }
0x48: {  	_ =	shalt  }
0x49: {  	_ =	shalt  }
0x4a: {  	_ =	shalt  }
0x4b: {  	_ =	shalt  }
0x4c: {  	_ =	shalt  }
0x4d: {  	_ =	shalt  }
0x4e: {  	_ =	shalt  }
0x4f: {  	_ =	shalt  }
0x50: {  	_ =	shalt  }
0x51: {  	_ =	shalt  }
0x52: {  	_ =	shalt  }
0x53: {  	_ =	shalt  }
0x54: {  	_ =	shalt  }
0x55: {  	_ =	shalt  }
0x56: {  	_ =	shalt  }
0x57: {  	_ =	shalt  }
0x58: {  	_ =	shalt  }
0x59: {  	_ =	shalt  }
0x5a: {  	_ =	shalt  }
0x5b: {  	_ =	shalt  }
0x5c: {  	_ =	shalt  }
0x5d: {  	_ =	shalt  }
0x5e: {  	_ =	shalt  }
0x5f: {  	_ =	shalt  }
0x60: {  	_ =	shalt  }
0x61: {  	_ =	shalt  }
0x62: {  	_ =	shalt  }
0x63: {  	_ =	shalt  }
0x64: {  	_ =	shalt  }
0x65: {  	_ =	shalt  }
0x66: {  	_ =	shalt  }
0x67: {  	_ =	shalt  }
0x68: {  	_ =	shalt  }
0x69: {  	_ =	shalt  }
0x6a: {  	_ =	shalt  }
0x6b: {  	_ =	shalt  }
0x6c: {  	_ =	shalt  }
0x6d: {  	_ =	shalt  }
0x6e: {  	_ =	shalt  }
0x6f: {  	_ =	shalt  }
0x70: {  	_ =	shalt  }
0x71: {  	_ =	shalt  }
0x72: {  	_ =	shalt  }
0x73: {  	_ =	shalt  }
0x74: {  	_ =	shalt  }
0x75: {  	_ =	shalt  }
0x76: {  	_ =	shalt  }
0x77: {  	_ =	shalt  }
0x78: {  	_ =	shalt  }
0x79: {  	_ =	shalt  }
0x7a: {  	_ =	shalt  }
0x7b: {  	_ =	shalt  }
0x7c: {  	_ =	shalt  }
0x7d: {  	_ =	shalt  }
0x7e: {  	_ =	shalt  }
0x7f: {  	_ =	shalt  }
0x80: {  	_ =	shalt  }
0x81: {  	_ =	shalt  }
0x82: {  	_ =	shalt  }
0x83: {  	_ =	shalt  }
0x84: {  	_ =	shalt  }
0x85: {  	_ =	shalt  }
0x86: {  	_ =	shalt  }
0x87: {  	_ =	shalt  }
.Lfunc_end0:
.L_simem_size_0:
called_computation_lowered:
.L_overlay_start_0:
0x88: {  	s2 =	sld [smem:$0x3FD9]  }
0x89: {  	s3 =	sld [smem:$0x3FFE];
	_ =	sdelay $0x1  }
0x8a: {  	s1 =	srdreg.scid  }
0x8b: {  	s0 =	sand.u32 $0x1, s1  }
0x8c: {  	s17 =	sshll.u32 s0, $0xA;
	s2 =	sadd.s32 s3, s2  }
0x8d: {  	s2 =	sadd.s32 s2, s17  }
0x8e: {  	[smem:$0x3FC3] =	sst s2  }
0x8f: {  	_ = 	snop  }
0x90: {  	s2 =	sld [smem:$0x3FC8]  }
0x91: {  	s18 =	sld [smem:$0x3FC5]  }
0x92: {  	s4 =	sld [smem:$0x3FD0];
	(tm) =	ssettm $0x1  }
0x93: {  	s5 =	sld [smem:$0x3FFB];
	_ =	sdelay $0x3  }
0x94: {  	_ =	strace s5  }
0x95: {  	s5 =	sld [smem:$0x3FFC];
	_ =	sdelay $0x3  }
0x96: {  	_ =	strace s5  }
0x97: {  	s5 =	sld [smem:$0x3FFD];
	_ =	sdelay $0x3  }
0x98: {  	_ =	strace s5  }
0x99: {  	_ =	strace $0x8FFFFFFF  }
0x9a: {  	s19 =	sld [smem:$0x3FDB];
	_ =	sdelay $0x1  }
0x9b: {  	s6 =	simm.s32 $_scs_section_size  }
0x9c: {  	s7 =	simm.s32 $_size__tile_overlayer_lowered;
	s8 =	simm.s32 $_tile_overlayer_lowered  }
0x9d: {  	s22 =	simm.s32 $0x1BFF;
	s21 =	sshll.u32 s8, $0x1;
	s5 =	sadd.s32 s6, s19  }
0x9e: {  	s9 =	simm.s32 $0x0;
	s20 =	sshll.u32 s7, $0x1;
	s7 =	sadd.s32 s21, s5  }
0x9f: {  	[timem:s9], [sflag:s22] =	dma.local [hbm:s7], s20  }
0xa0: {  	_ =	swait.ge [sflag:s22], s20  }
0xa1: {  	s6 =	ssub.s32 $0x0, s20;
	[sflag:s22] =	ssyncset.done $0x0  }
0xa2: {  	[sflag:s22] =	ssyncadd.s32 s6;
	_ =	sdelay $0x1  }
0xa3: {  	s23 =	simm.s32 $0x1B8B  }
0xa4: {  	_ =	swait.ge [sflag:s23], $0x1  }
0xa5: {  	[sflag:s23] =	ssyncset.done $0x0  }
0xa6: {  	s25 =	simm.s32 $0x1B8E;
	s24 =	sld [smem:$0x3FFE];
	[sflag:s23] =	ssyncadd.s32 $0xFFFFFFFF  }
0xa7: {  	s26 =	simm.s32 $execute0_lowered;
	[smem:$0x3FD2] =	sst s25  }
0xa8: {  	s7 =	sshll.u32 s26, $0x1;
	_ =	strace $0x80000046;
	[dreg:$0x1] =	wrdreg $0xFFFFFFFF  }
0xa9: {  	s28 =	simm.s32 $_size_execute0_lowered;
	s5 =	sadd.s32 s5, s7;
	[dreg:$0x0] =	wrdreg $0x0  }
0xaa: {  	s7 =	sshll.u32 s28, $0x1;
	[dreg:$0x2] =	wrdreg s5  }
0xab: {  	[dreg:$0x3] =	wrdreg s7  }
0xac: {  	[dreg:$0x4] =	wrdreg $0xC0  }
0xad: {  	_ =	task [dreg:s9], $0x5FFFF  }
0xae: {  	[dreg:$0x1] =	wrdreg $0xFFFFFFFF  }
0xaf: {  	[dreg:$0x0] =	wrdreg $0x60  }
0xb0: {  	[dreg:$0x2] =	wrdreg s4  }
0xb1: {  	[dreg:$0x3] =	wrdreg s24  }
0xb2: {  	[dreg:$0x4] =	wrdreg s2  }
0xb3: {  	[dreg:$0x5] =	wrdreg s18  }
0xb4: {  	[dreg:$0x6] =	wrdreg $0x0  }
0xb5: {  	[dreg:$0x7] =	wrdreg $0x9  }
0xb6: {  	_ =	task.clear_ibuf [dreg:s9], $0x8FFFF;
	_ =	strace $0x90000046  }
0xb7: {  	s29 =	simm.s32 $0x9;
	_ =	strace $0x80000048  }
0xb8: {  	_ =	swait.ge [sflag:s29], $0x1  }
0xb9: {  	[sflag:s29] =	ssyncadd.s32 $0xFFFFFFFF  }
0xba: {  	_ =	strace $0x90000048  }
0xbb: {  	_ =	sfence  }
0xbc: {  	s30 =	sld [smem:$0x0];
	_ =	sdelay $0x2  }
0xbd: {  	s31 =	sshll.u32 s1, $0xD;
	s1 =	sshrl.u32 s1, $0x2  }
0xbe: {  	s3 =	sand.u32 $0x4000, s31;
	s1 =	sadd.s32 s1, s30  }
0xbf: {  	s0 =	sor.u32 s3, s0;
	s1 =	sshll.u32 s1, $0x11  }
0xc0: {  	s0 =	sor.u32 s1, s0  }
0xc1: {  	s0 =	sadd.s32 $0x8F2B, s0  }
0xc2: {  	[sflag:s0] =	ssyncadd.remote.s32 $0x1  }
0xc3: {  	_ =	sfence.sel $0xFFFF  }
0xc4: {  	[dreg:$0x0] =	wrdreg $0xFFFFFFFF;
	(pc) =	sbr.abs _section_cstart, $3  }
0xc5: {  	[dreg:$0x1] =	wrdreg $0xFFFFFFFF  }
0xc6: {  	_ =	task.clear_ibuf [dreg:s9], $0x2FFFF;
	_ =	strace $0x9FFFFFFF  }
0xc7: {  	(tm) =	ssettm $0x7FFFFFFF  }
tec
execute0_lowered:
.L_overlay_start_1:
0x0: {  	(tag) =	ssettag $0x1  }
0x1: {  	s1 =	rddreg [dreg:$0x0]  }
0x2: {  	s0 =	rddreg [dreg:$0x1]  }
0x3: {  	s2 =	rddreg [dreg:$0x2]  }
0x4: {  	s5 =	rddreg [dreg:$0x3];
	s10 =	stileid.u32  }
0x5: {  	s3 =	rddreg [dreg:$0x4];
	s7 =	smul.u32 $0x13880, s10  }
0x6: {  	s6 =	srdreg.scid;
	s4 =	simm.s32 $0x0;
	s25 =	smul.u32 $0x9C4, s10  }
0x7: {  	s6 =	sand.u32 $0x1, s6;
	[smem:$0x7FF] =	sst s4;
	s10 =	smul.u32 $0x27100, s10  }
0x8: {  	s8 =	sshll.u32 s6, $0x6;
	_ =	strace $0x80000047;
	s9 =	ssub.s32 $0x2, s6  }
0x9: {  	s17 =	smul.u32 $0x2710, s6;
	s7 =	sor.u32 s8, s7;
	s12 =	sadd.s32 s0, s25  }
0xa: {  	s10 =	sshrl.u32 s10, $0x2;
	s2 =	sadd.s32 s2, s25;
	[dreg:$0x6] =	wrdreg s12  }
0xb: {  	s26 =	sadd.s32 $0x9E00, s12;
	[dreg:$0x8] =	wrdreg s2;
	s8 =	sadd.s32 s10, s3  }
0xc: {  	s11 =	sshrl.u32 s9, $0x1;
	[dreg:$0x7] =	wrdreg s26;
	s12 =	sadd.s32 $0x640, s8  }
0xd: {  	s7 =	sshrl.u32 s7, $0x3;
	s13 =	sadd.s32 $0xC80, s8;
	[dreg:$0xa] =	wrdreg s12  }
0xe: {  	v0 =	vmov s17;
	s17 =	simm.s32 $0x0;
	s14 =	sadd.s32 $0x12C0, s8;
	[dreg:$0xb] =	wrdreg s13  }
0xf: {  	s7 =	sadd.s32 s7, s0;
	s15 =	sadd.s32 $0x1900, s8;
	[dreg:$0xc] =	wrdreg s14  }
0x10: {  	s0 =	ssub.s32 s9, s11;
	s16 =	sadd.s32 $0x1F40, s8;
	[dreg:$0xd] =	wrdreg s15  }
0x11: {  	s11 =	sshll.u32 s6, $0x3;
	s18 =	sadd.s32 $0x2580, s8;
	[dreg:$0xe] =	wrdreg s16  }
0x12: {  	s19 =	sadd.s32 $0x2BC0, s8;
	s20 =	sadd.s32 $0x3200, s8;
	[dreg:$0xf] =	wrdreg s18  }
0x13: {  	s21 =	sadd.s32 $0x3840, s8;
	s22 =	sadd.s32 $0x3E80, s8;
	[dreg:$0x10] =	wrdreg s19  }
0x14: {  	s23 =	sadd.s32 $0x44C0, s8;
	s24 =	sadd.s32 $0x4B00, s8;
	[dreg:$0x11] =	wrdreg s20  }
0x15: {  	s25 =	sadd.s32 $0x5140, s8;
	s28 =	sadd.s32 $0x6400, s8;
	[dreg:$0x12] =	wrdreg s21  }
0x16: {  	s29 =	sadd.s32 $0x6A40, s8;
	s30 =	sadd.s32 $0x7080, s8;
	[dreg:$0x13] =	wrdreg s22  }
0x17: {  	s31 =	sadd.s32 $0x76C0, s8;
	s6 =	sadd.s32 $0x8980, s8;
	[dreg:$0x14] =	wrdreg s23  }
0x18: {  	s9 =	sadd.s32 $0x9600, s8;
	s2 =	sadd.s32 s5, s11;
	[dreg:$0x15] =	wrdreg s24  }
0x19: {  	[dreg:$0x16] =	wrdreg s25;
	s26 =	sadd.s32 $0x13C00, s7;
	s0 =	smax.u32 s0, $0x1  }
0x1a: {  	s25 =	sadd.s32 $0x5780, s8;
	s7 =	sadd.s32 $0x8FC0, s8;
	s20 =	simm.s32 $0x9C40  }
0x1b: {  	s11 =	simm.s32 $0x3;
	s12 =	simm.s32 $0x13880;
	[dreg:$0x9] =	wrdreg s2  }
0x1c: {  	s13 =	simm.s32 $0x1D6A0;
	s14 =	simm.s32 $0x50;
	[dreg:$0x17] =	wrdreg s26  }
0x1d: {  	v1 =	vimm.s32 $0x0;
	vm0 =	vcmask $0x300;
	s15 =	simm.s32 $0x1;
	s16 =	simm.s32 $0x2;
	[dreg:$0x18] =	wrdreg s0  }
0x1e: {  	v1 =	vsel vm0, $0x3, v1;
	s26 =	sadd.s32 $0x5DC0, s8;
	s0 =	sadd.s32 $0x7D00, s8;
	s2 =	sadd.s32 $0x8340, s8  }
.LBB2_1:
0x1f: {  	s5 =	rddreg [dreg:$0x6]  }
0x20: {  	[tilespmem:s20], [sflag:$0x3] =	stream.linear.gather [hbm4b:s5+s4], $0x4E20, $0x38;
	[tilespmem:$0x1DD20] =	vst v63  }
0x21: {  	_ =	swait.ge [sflag:s11], $0x4E20  }
0x22: {  	[sflag:s11] =	ssyncset.done $0x0  }
0x23: {  	s10 =	simm.s32 $0xEA60;
	s23 =	rddreg [dreg:$0x7];
	[sflag:s11] =	ssyncadd.s32 $0xFFFFB1E0  }
0x24: {  	[tilespmem:s10], [sflag:$0x3] =	stream.linear.gather [hbm4b:s23+s4], $0x4E20, $0x38;
	[tilespmem:$0x1DD20] =	vst v63  }
0x25: {  	_ =	swait.ge [sflag:s11], $0x4E20  }
0x26: {  	[sflag:s11] =	ssyncset.done $0x0  }
0x27: {  	s24 =	rddreg [dreg:$0x8];
	[sflag:s11] =	ssyncadd.s32 $0xFFFFB1E0  }
0x28: {  	[tilespmem:s12], [sflag:$0x3] =	stream.linear.gather [hbm4b:s24+s4], $0x4E20, $0x38;
	[tilespmem:$0x1DD20] =	vst v63  }
0x29: {  	_ =	swait.ge [sflag:s11], $0x4E20  }
0x2a: {  	[sflag:s11] =	ssyncset.done $0x0  }
0x2b: {  	s5 =	simm.s32 $0x0;
	[sflag:s11] =	ssyncadd.s32 $0xFFFFB1E0  }
0x2c: {  	v5 =	vld [tilespmem:s5+$0x9C40]  }
0x2d: {  	v4 =	vld [tilespmem:s5+$0x9C50]  }
0x2e: {  	v3 =	vld [tilespmem:s5+$0x9C60]  }
0x2f: {  	s18 =	simm.s32 $0x140;
	v2 =	vld [tilespmem:s5+$0x9C70]  }
.LBB2_2:
0x30: {  	p0 =	sne.s32 s18, $0x13740;
	v6 =	vld [tilespmem:s5+$0x9C80]  }
0x31: {  	v5 =	vadd.s32 v0, v5  }
.Ltmp0:
0x32: {  	s19 =	sshra.s32 s18, $0x2;
	[tilespmem:s5+$0x9C40] =	vst v5;
	v4 =	vadd.s32 v0, v4;
	(pc) =	sbr.rel @p0 .LBB2_2-.Ltmp0, $4  }
0x33: {  	v5 =	vld [tilespmem:s19+$0x9C40];
	[tilespmem:s5+$0x9C50] =	vst v4;
	v3 =	vadd.s32 v0, v3  }
0x34: {  	v4 =	vld [tilespmem:s19+$0x9C50];
	[tilespmem:s5+$0x9C60] =	vst v3;
	v2 =	vadd.s32 v0, v2  }
0x35: {  	v3 =	vld [tilespmem:s19+$0x9C60];
	[tilespmem:s5+$0x9C70] =	vst v2;
	v6 =	vadd.s32 v0, v6  }
0x36: {  	s18 =	sadd.s32 $0x140, s18;
	v2 =	vld [tilespmem:s19+$0x9C70];
	[tilespmem:s5+$0x9C80] =	vst v6;
	s5 =	smov.u32 s19  }
0x37: {  	v6 =	vld [tilespmem:s5+$0x9C80]  }
0x38: {  	v5 =	vadd.s32 v0, v5  }
0x39: {  	[tilespmem:s5+$0x9C40] =	vst v5;
	v4 =	vadd.s32 v0, v4  }
0x3a: {  	[tilespmem:s5+$0x9C50] =	vst v4;
	v3 =	vadd.s32 v0, v3  }
0x3b: {  	[tilespmem:s5+$0x9C60] =	vst v3;
	v2 =	vadd.s32 v0, v2  }
0x3c: {  	[tilespmem:s5+$0x9C70] =	vst v2;
	v2 =	vadd.s32 v0, v6  }
0x3d: {  	s10 =	rddreg [dreg:$0x9];
	s18 =	simm.s32 $0x1DCE0;
	[tilespmem:s5+$0x9C80] =	vst v2;
	s5 =	simm.s32 $0x0  }
0x3e: {  	[tilespmem:s18], [sflag:$0x3] =	stream.linear.gather [hbm4b:s10+s5], $0x40, $0x38;
	[tilespmem:$0x1DD20] =	vst v63  }
0x3f: {  	_ =	swait.ge [sflag:s11], $0x40  }
0x40: {  	[sflag:s11] =	ssyncset.done $0x0  }
0x41: {  	[sflag:s11] =	ssyncadd.s32 $0xFFFFFFC0  }
0x42: {  	s18 =	simm.s32 $0x100;
	v2 =	vld [tilespmem:$0x1DCE0]  }
.LBB2_4:
0x43: {  	p0 =	sne.s32 s18, $0x1800;
	_ =	sdelay $0x2  }
0x44: {  	s19 =	sshra.s32 s5, $0x2;
	s5 =	smov.u32 s18  }
0x45: {  	[tilespmem:s19+$0x1D6A0] =	vst v2  }
0x46: {  	v2 =	vld [tilespmem:$0x1DCF0];
	_ =	sdelay $0x4  }
0x47: {  	[tilespmem:s19+$0x1D6B0] =	vst v2  }
0x48: {  	v2 =	vld [tilespmem:$0x1DD00];
	_ =	sdelay $0x4  }
0x49: {  	[tilespmem:s19+$0x1D6C0] =	vst v2  }
0x4a: {  	v2 =	vld [tilespmem:$0x1DD10];
	_ =	sdelay $0x1  }
.Ltmp1:
0x4b: {  	(pc) =	sbr.rel @p0 .LBB2_4-.Ltmp1, $3  }
0x4c: {  	_ =	sdelay $0x1  }
0x4d: {  	[tilespmem:s19+$0x1D6D0] =	vst v2  }
0x4e: {  	s18 =	sadd.s32 $0x100, s18;
	v2 =	vld [tilespmem:$0x1DCE0]  }
0x4f: {  	_ =	sdelay $0x2  }
0x50: {  	s5 =	sshra.s32 s5, $0x2  }
0x51: {  	[tilespmem:s5+$0x1D6A0] =	vst v2  }
0x52: {  	v2 =	vld [tilespmem:$0x1DCF0];
	_ =	sdelay $0x4  }
0x53: {  	[tilespmem:s5+$0x1D6B0] =	vst v2  }
0x54: {  	v2 =	vld [tilespmem:$0x1DD00];
	_ =	sdelay $0x4  }
0x55: {  	[tilespmem:s5+$0x1D6C0] =	vst v2  }
0x56: {  	v2 =	vld [tilespmem:$0x1DD10];
	_ =	sdelay $0x4  }
0x57: {  	[tilespmem:s5+$0x1D6D0] =	vst v2  }
0x58: {  	[spmem:s8] =	stream.linear.scatter [tilespmem:s13], [sflag:$0x3], $0x640, $0x38;
	[tilespmem:$0x1DD20] =	vst v63  }
0x59: {  	_ =	swait.ge [sflag:s11], $0x640  }
0x5a: {  	[sflag:s11] =	ssyncset.done $0x0  }
0x5b: {  	s22 =	rddreg [dreg:$0xa];
	[sflag:s11] =	ssyncadd.s32 $0xFFFFF9C0  }
0x5c: {  	[spmem:s22] =	stream.linear.scatter [tilespmem:s13], [sflag:$0x3], $0x640, $0x38;
	[tilespmem:$0x1DD20] =	vst v63  }
0x5d: {  	_ =	swait.ge [sflag:s11], $0x640  }
0x5e: {  	[sflag:s11] =	ssyncset.done $0x0  }
0x5f: {  	s23 =	rddreg [dreg:$0xb];
	[sflag:s11] =	ssyncadd.s32 $0xFFFFF9C0  }
0x60: {  	[spmem:s23] =	stream.linear.scatter [tilespmem:s13], [sflag:$0x3], $0x640, $0x38;
	[tilespmem:$0x1DD20] =	vst v63  }
0x61: {  	_ =	swait.ge [sflag:s11], $0x640  }
0x62: {  	[sflag:s11] =	ssyncset.done $0x0  }
0x63: {  	s24 =	rddreg [dreg:$0xc];
	[sflag:s11] =	ssyncadd.s32 $0xFFFFF9C0  }
0x64: {  	[spmem:s24] =	stream.linear.scatter [tilespmem:s13], [sflag:$0x3], $0x640, $0x38;
	[tilespmem:$0x1DD20] =	vst v63  }
0x65: {  	_ =	swait.ge [sflag:s11], $0x640  }
0x66: {  	[sflag:s11] =	ssyncset.done $0x0  }
0x67: {  	s10 =	rddreg [dreg:$0xd];
	[sflag:s11] =	ssyncadd.s32 $0xFFFFF9C0  }
0x68: {  	[spmem:s10] =	stream.linear.scatter [tilespmem:s13], [sflag:$0x3], $0x640, $0x38;
	[tilespmem:$0x1DD20] =	vst v63  }
0x69: {  	_ =	swait.ge [sflag:s11], $0x640  }
0x6a: {  	[sflag:s11] =	ssyncset.done $0x0  }
0x6b: {  	s18 =	rddreg [dreg:$0xe];
	[sflag:s11] =	ssyncadd.s32 $0xFFFFF9C0  }
0x6c: {  	[spmem:s18] =	stream.linear.scatter [tilespmem:s13], [sflag:$0x3], $0x640, $0x38;
	[tilespmem:$0x1DD20] =	vst v63  }
0x6d: {  	_ =	swait.ge [sflag:s11], $0x640  }
0x6e: {  	[sflag:s11] =	ssyncset.done $0x0  }
0x6f: {  	s19 =	rddreg [dreg:$0xf];
	[sflag:s11] =	ssyncadd.s32 $0xFFFFF9C0  }
0x70: {  	[spmem:s19] =	stream.linear.scatter [tilespmem:s13], [sflag:$0x3], $0x640, $0x38;
	[tilespmem:$0x1DD20] =	vst v63  }
0x71: {  	_ =	swait.ge [sflag:s11], $0x640  }
0x72: {  	[sflag:s11] =	ssyncset.done $0x0  }
0x73: {  	s21 =	rddreg [dreg:$0x10];
	[sflag:s11] =	ssyncadd.s32 $0xFFFFF9C0  }
0x74: {  	[spmem:s21] =	stream.linear.scatter [tilespmem:s13], [sflag:$0x3], $0x640, $0x38;
	[tilespmem:$0x1DD20] =	vst v63  }
0x75: {  	_ =	swait.ge [sflag:s11], $0x640  }
0x76: {  	[sflag:s11] =	ssyncset.done $0x0  }
0x77: {  	s22 =	rddreg [dreg:$0x11];
	[sflag:s11] =	ssyncadd.s32 $0xFFFFF9C0  }
0x78: {  	[spmem:s22] =	stream.linear.scatter [tilespmem:s13], [sflag:$0x3], $0x640, $0x38;
	[tilespmem:$0x1DD20] =	vst v63  }
0x79: {  	_ =	swait.ge [sflag:s11], $0x640  }
0x7a: {  	[sflag:s11] =	ssyncset.done $0x0  }
0x7b: {  	s23 =	rddreg [dreg:$0x12];
	[sflag:s11] =	ssyncadd.s32 $0xFFFFF9C0  }
0x7c: {  	[spmem:s23] =	stream.linear.scatter [tilespmem:s13], [sflag:$0x3], $0x640, $0x38;
	[tilespmem:$0x1DD20] =	vst v63  }
0x7d: {  	_ =	swait.ge [sflag:s11], $0x640  }
0x7e: {  	[sflag:s11] =	ssyncset.done $0x0  }
0x7f: {  	s24 =	rddreg [dreg:$0x13];
	[sflag:s11] =	ssyncadd.s32 $0xFFFFF9C0  }
0x80: {  	[spmem:s24] =	stream.linear.scatter [tilespmem:s13], [sflag:$0x3], $0x640, $0x38;
	[tilespmem:$0x1DD20] =	vst v63  }
0x81: {  	_ =	swait.ge [sflag:s11], $0x640  }
0x82: {  	[sflag:s11] =	ssyncset.done $0x0  }
0x83: {  	s10 =	rddreg [dreg:$0x14];
	[sflag:s11] =	ssyncadd.s32 $0xFFFFF9C0  }
0x84: {  	[spmem:s10] =	stream.linear.scatter [tilespmem:s13], [sflag:$0x3], $0x640, $0x38;
	[tilespmem:$0x1DD20] =	vst v63  }
0x85: {  	_ =	swait.ge [sflag:s11], $0x640  }
0x86: {  	[sflag:s11] =	ssyncset.done $0x0  }
0x87: {  	s18 =	rddreg [dreg:$0x15];
	[sflag:s11] =	ssyncadd.s32 $0xFFFFF9C0  }
0x88: {  	[spmem:s18] =	stream.linear.scatter [tilespmem:s13], [sflag:$0x3], $0x640, $0x38;
	[tilespmem:$0x1DD20] =	vst v63  }
0x89: {  	_ =	swait.ge [sflag:s11], $0x640  }
0x8a: {  	[sflag:s11] =	ssyncset.done $0x0  }
0x8b: {  	s19 =	rddreg [dreg:$0x16];
	[sflag:s11] =	ssyncadd.s32 $0xFFFFF9C0  }
0x8c: {  	[spmem:s19] =	stream.linear.scatter [tilespmem:s13], [sflag:$0x3], $0x640, $0x38;
	[tilespmem:$0x1DD20] =	vst v63  }
0x8d: {  	_ =	swait.ge [sflag:s11], $0x640  }
0x8e: {  	[sflag:s11] =	ssyncset.done $0x0  }
0x8f: {  	[sflag:s11] =	ssyncadd.s32 $0xFFFFF9C0  }
0x90: {  	[spmem:s25] =	stream.linear.scatter [tilespmem:s13], [sflag:$0x3], $0x640, $0x38;
	[tilespmem:$0x1DD20] =	vst v63  }
0x91: {  	_ =	swait.ge [sflag:s11], $0x640  }
0x92: {  	[sflag:s11] =	ssyncset.done $0x0  }
0x93: {  	[sflag:s11] =	ssyncadd.s32 $0xFFFFF9C0  }
0x94: {  	[spmem:s26] =	stream.linear.scatter [tilespmem:s13], [sflag:$0x3], $0x640, $0x38;
	[tilespmem:$0x1DD20] =	vst v63  }
0x95: {  	_ =	swait.ge [sflag:s11], $0x640  }
0x96: {  	[sflag:s11] =	ssyncset.done $0x0  }
0x97: {  	[sflag:s11] =	ssyncadd.s32 $0xFFFFF9C0  }
0x98: {  	[spmem:s28] =	stream.linear.scatter [tilespmem:s13], [sflag:$0x3], $0x640, $0x38;
	[tilespmem:$0x1DD20] =	vst v63  }
0x99: {  	_ =	swait.ge [sflag:s11], $0x640  }
0x9a: {  	[sflag:s11] =	ssyncset.done $0x0  }
0x9b: {  	[sflag:s11] =	ssyncadd.s32 $0xFFFFF9C0  }
0x9c: {  	[spmem:s29] =	stream.linear.scatter [tilespmem:s13], [sflag:$0x3], $0x640, $0x38;
	[tilespmem:$0x1DD20] =	vst v63  }
0x9d: {  	_ =	swait.ge [sflag:s11], $0x640  }
0x9e: {  	[sflag:s11] =	ssyncset.done $0x0  }
0x9f: {  	[sflag:s11] =	ssyncadd.s32 $0xFFFFF9C0  }
0xa0: {  	[spmem:s30] =	stream.linear.scatter [tilespmem:s13], [sflag:$0x3], $0x640, $0x38;
	[tilespmem:$0x1DD20] =	vst v63  }
0xa1: {  	_ =	swait.ge [sflag:s11], $0x640  }
0xa2: {  	[sflag:s11] =	ssyncset.done $0x0  }
0xa3: {  	[sflag:s11] =	ssyncadd.s32 $0xFFFFF9C0  }
0xa4: {  	[spmem:s31] =	stream.linear.scatter [tilespmem:s13], [sflag:$0x3], $0x640, $0x38;
	[tilespmem:$0x1DD20] =	vst v63  }
0xa5: {  	_ =	swait.ge [sflag:s11], $0x640  }
0xa6: {  	[sflag:s11] =	ssyncset.done $0x0  }
0xa7: {  	[sflag:s11] =	ssyncadd.s32 $0xFFFFF9C0  }
0xa8: {  	[spmem:s0] =	stream.linear.scatter [tilespmem:s13], [sflag:$0x3], $0x640, $0x38;
	[tilespmem:$0x1DD20] =	vst v63  }
0xa9: {  	_ =	swait.ge [sflag:s11], $0x640  }
0xaa: {  	[sflag:s11] =	ssyncset.done $0x0  }
0xab: {  	[sflag:s11] =	ssyncadd.s32 $0xFFFFF9C0  }
0xac: {  	[spmem:s2] =	stream.linear.scatter [tilespmem:s13], [sflag:$0x3], $0x640, $0x38;
	[tilespmem:$0x1DD20] =	vst v63  }
0xad: {  	_ =	swait.ge [sflag:s11], $0x640  }
0xae: {  	[sflag:s11] =	ssyncset.done $0x0  }
0xaf: {  	[sflag:s11] =	ssyncadd.s32 $0xFFFFF9C0  }
0xb0: {  	[spmem:s6] =	stream.linear.scatter [tilespmem:s13], [sflag:$0x3], $0x640, $0x38;
	[tilespmem:$0x1DD20] =	vst v63  }
0xb1: {  	_ =	swait.ge [sflag:s11], $0x640  }
0xb2: {  	[sflag:s11] =	ssyncset.done $0x0  }
0xb3: {  	[sflag:s11] =	ssyncadd.s32 $0xFFFFF9C0  }
0xb4: {  	[spmem:s7] =	stream.linear.scatter [tilespmem:s13], [sflag:$0x3], $0x640, $0x38;
	[tilespmem:$0x1DD20] =	vst v63  }
0xb5: {  	_ =	swait.ge [sflag:s11], $0x640  }
0xb6: {  	[sflag:s11] =	ssyncset.done $0x0  }
0xb7: {  	[sflag:s11] =	ssyncadd.s32 $0xFFFFF9C0  }
0xb8: {  	[spmem:s9] =	stream.linear.scatter [tilespmem:s13], [sflag:$0x3], $0x640, $0x38;
	[tilespmem:$0x1DD20] =	vst v63  }
0xb9: {  	_ =	swait.ge [sflag:s11], $0x640  }
0xba: {  	[sflag:s11] =	ssyncset.done $0x0  }
0xbb: {  	[sflag:s11] =	ssyncadd.s32 $0xFFFFF9C0  }
0xbc: {  	s21 =	simm.s32 $0x186A0;
	[bflag:$0x0] =	sbarrier.arrive $0xFFFF  }
0xbd: {  	[tilespmem:s21], [sflag:$0x1] =	stream.indirect.gather [hbm4b:s1+s14], $0x40, s20, s14, $0xb8;
	[tilespmem:$0x1DD20] =	vst v63  }
0xbe: {  	s22 =	simm.s32 $0x9C90;
	s23 =	simm.s32 $0x9CE0;
	s10 =	simm.s32 $0x19AA0  }
0xbf: {  	[tilespmem:s10], [sflag:$0x1] =	stream.indirect.gather [hbm4b:s1+s14], $0x40, s22, s14, $0xb8;
	[tilespmem:$0x1DD20] =	vst v63  }
0xc0: {  	s24 =	simm.s32 $0x1AEA0;
	s18 =	simm.s32 $0x0;
	s19 =	simm.s32 $0x0  }
0xc1: {  	[tilespmem:s24], [sflag:$0x1] =	stream.indirect.gather [hbm4b:s1+s14], $0x40, s23, s14, $0xb8;
	[tilespmem:$0x1DD20] =	vst v63  }
.LBB2_6:
0xc2: {  	_ =	swait.ge [sflag:s15], $0x1400  }
0xc3: {  	p0 =	seq.s32 s19, $0x0;
	[sflag:s15] =	ssyncset.done $0x0  }
0xc4: {  	s5 =	simm.s32 @!p0 $0x2;
	[sflag:s15] =	ssyncadd.s32 $0xFFFFEC00  }
0xc5: {  	p1 =	sgt.u32 @!p0 s19, $0xF6;
	_ =	swait.ge @!p0 [sflag:s5], $0x1400  }
0xc6: {  	s22 =	simm.s32 $0x0;
	p1 =	por p0, !p1;
	[sflag:s5] =	ssyncset.done @!p0 $0x0  }
0xc7: {  	v2 =	vmov s19;
	v3 =	vmov s22;
	[sflag:s5] =	ssyncadd.s32 @!p0 $0xFFFFEC00;
	s5 =	sadd.s32 @p1 $0x3, s19  }
0xc8: {  	v2 =	vmul.u32 $0x50, v2;
	v3 =	vshrl.u32 v3, $0x3;
	s20 =	sand.u32 @p1 $0x3, s5;
	s5 =	smul.u32 @p1 $0x140, s5  }
0xc9: {  	v3 =	vshll.u32 v3, v1;
	s20 =	smul.u32 @p1 $0x5000, s20  }
0xca: {  	v3 =	vadd.s32 v2, v3  }
0xcb: {  	v3 =	vbroadcast v3, $0x0;
	s5 =	sshra.s32 @p1 s5, $0x2;
	s20 =	sshrl.u32 @p1 s20, $0x2  }
0xcc: {  	s23 =	sand.u32 $0x3, s18;
	s5 =	sadd.s32 @p1 $0x9C40, s5;
	s20 =	sadd.s32 @p1 $0x186A0, s20  }
0xcd: {  	[tilespmem:s20], [sflag:$0x1] =	stream.indirect.gather @p1 [hbm4b:s1+s14], $0x40, s5, s14, $0xb8;
	[tilespmem:$0x1DD20] =	vst v63  }
0xce: {  	s5 =	smul.u32 $0x5000, s23;
	_ =	sdelay $0x1  }
0xcf: {  	s5 =	sshrl.u32 s5, $0x2  }
0xd0: {  	v4 =	vld.idx.msk [tilespmem:v3+s12+$0x0], $0xffff;
	s20 =	sadd.s32 $0x187A0, s5  }
0xd1: {  	s24 =	simm.s32 $0x1;
	v5 =	vld [tilespmem:s20+$0xFFFFFF10]  }
0xd2: {  	v3 =	vmov s24;
	v6 =	vld [tilespmem:s20+$0xFFFFFF30]  }
0xd3: {  	v7 =	vshrl.u32 v3, $0x3;
	v8 =	vld [tilespmem:s20+$0xFFFFFF00]  }
0xd4: {  	v3 =	vor.u32 $0x1, v2;
	v7 =	vshll.u32 v7, v1;
	v9 =	vld [tilespmem:s20+$0xFFFFFF20]  }
0xd5: {  	v7 =	vadd.s32 v7, v3  }
0xd6: {  	v7 =	vbroadcast v7, $0x0;
	v5 =	vmul.f32 v5, v4  }
0xd7: {  	v6 =	vmul.f32 v6, v4  }
0xd8: {  	v8 =	vmul.f32 v8, v4;
	[tilespmem:s20+$0xFFFFFF10] =	vst v5  }
0xd9: {  	v4 =	vmul.f32 v9, v4;
	[tilespmem:s20+$0xFFFFFF30] =	vst v6  }
0xda: {  	[tilespmem:s20+$0xFFFFFF00] =	vst v8  }
0xdb: {  	v10 =	vld [tilespmem:s20+$0xFFFFFF50];
	[tilespmem:s20+$0xFFFFFF20] =	vst v4  }
0xdc: {  	s10 =	simm.s32 $0x2;
	v5 =	vld.idx.msk [tilespmem:v7+s12+$0x0], $0xffff  }
0xdd: {  	v4 =	vmov s10;
	v6 =	vld [tilespmem:s20+$0xFFFFFF70]  }
0xde: {  	v8 =	vld [tilespmem:s20+$0xFFFFFF60];
	v7 =	vshrl.u32 v4, $0x3  }
0xdf: {  	v9 =	vld [tilespmem:s20+$0xFFFFFF40];
	v4 =	vor.u32 $0x2, v2;
	v7 =	vshll.u32 v7, v1  }
0xe0: {  	v7 =	vadd.s32 v7, v4  }
0xe1: {  	v7 =	vbroadcast v7, $0x0;
	v10 =	vmul.f32 v10, v5  }
0xe2: {  	v6 =	vmul.f32 v6, v5  }
0xe3: {  	v8 =	vmul.f32 v8, v5;
	[tilespmem:s20+$0xFFFFFF50] =	vst v10  }
0xe4: {  	v5 =	vmul.f32 v9, v5;
	[tilespmem:s20+$0xFFFFFF70] =	vst v6  }
0xe5: {  	[tilespmem:s20+$0xFFFFFF60] =	vst v8  }
0xe6: {  	v11 =	vld [tilespmem:s20+$0xFFFFFF80];
	[tilespmem:s20+$0xFFFFFF40] =	vst v5  }
0xe7: {  	s21 =	simm.s32 $0x3;
	v6 =	vld.idx.msk [tilespmem:v7+s12+$0x0], $0xffff  }
0xe8: {  	v5 =	vmov s21;
	v7 =	vld [tilespmem:s20+$0xFFFFFFB0]  }
0xe9: {  	v12 =	vld [tilespmem:s20+$0xFFFFFF90];
	v8 =	vshrl.u32 v5, $0x3  }
0xea: {  	v9 =	vld [tilespmem:s20+$0xFFFFFFA0];
	v5 =	vor.u32 $0x3, v2;
	v8 =	vshll.u32 v8, v1  }
0xeb: {  	v8 =	vadd.s32 v8, v5  }
0xec: {  	v8 =	vbroadcast v8, $0x0;
	v10 =	vmul.f32 v11, v6  }
0xed: {  	v7 =	vmul.f32 v7, v6  }
0xee: {  	v11 =	vmul.f32 v12, v6;
	[tilespmem:s20+$0xFFFFFF80] =	vst v10  }
0xef: {  	v6 =	vmul.f32 v9, v6;
	[tilespmem:s20+$0xFFFFFFB0] =	vst v7  }
0xf0: {  	[tilespmem:s20+$0xFFFFFF90] =	vst v11  }
0xf1: {  	v10 =	vld [tilespmem:s20+$0xFFFFFFF0];
	[tilespmem:s20+$0xFFFFFFA0] =	vst v6  }
0xf2: {  	s22 =	simm.s32 $0x4;
	v6 =	vld.idx.msk [tilespmem:v8+s12+$0x0], $0xffff  }
0xf3: {  	v7 =	vmov s22;
	v8 =	vld [tilespmem:s20+$0xFFFFFFE0]  }
0xf4: {  	v9 =	vld [tilespmem:s20+$0xFFFFFFD0];
	v11 =	vshrl.u32 v7, $0x3  }
0xf5: {  	v12 =	vld [tilespmem:s20+$0xFFFFFFC0];
	v7 =	vor.u32 $0x4, v2;
	v11 =	vshll.u32 v11, v1  }
0xf6: {  	v11 =	vadd.s32 v11, v7  }
0xf7: {  	v14 =	vbroadcast v11, $0x0;
	v10 =	vmul.f32 v10, v6  }
0xf8: {  	v8 =	vmul.f32 v8, v6  }
0xf9: {  	v9 =	vmul.f32 v9, v6;
	[tilespmem:s20+$0xFFFFFFF0] =	vst v10  }
0xfa: {  	s23 =	simm.s32 $0x5;
	v13 =	vld [tilespmem:s20+$0x20];
	v6 =	vmul.f32 v12, v6;
	[tilespmem:s20+$0xFFFFFFE0] =	vst v8  }
0xfb: {  	v15 =	vld [tilespmem:s20+$0x10];
	s21 =	sand.u32 $0x3, s19;
	v8 =	vmov s23;
	[tilespmem:s20+$0xFFFFFFD0] =	vst v9  }
0xfc: {  	s24 =	smul.u32 $0x5000, s21;
	v11 =	vld [tilespmem:s20+$0x0];
	[tilespmem:s20+$0xFFFFFFC0] =	vst v6;
	v8 =	vshrl.u32 v8, $0x3  }
0xfd: {  	v9 =	vor.u32 $0x5, v2;
	v6 =	vshll.u32 v8, v1;
	v14 =	vld.idx.msk [tilespmem:v14+s12+$0x0], $0xffff  }
0xfe: {  	s5 =	sshrl.u32 s24, $0x2;
	s24 =	simm.s32 $0xF;
	v10 =	vld [tilespmem:s20+$0x30];
	v12 =	vadd.s32 v6, v9  }
0xff: {  	s21 =	sadd.s32 $0x186A0, s5;
	s22 =	smov.u32 s20;
	s23 =	simm.s32 $0x7;
	v8 =	vor.u32 $0x6, v2;
	v6 =	vor.u32 $0x7, v2;
	v12 =	vbroadcast v12, $0x0  }
.LBB2_7:
0x100: {  	p0 =	sne.s32 s24, $0x4F  }
0x101: {  	s20 =	sadd.s32 $0x200, s20;
	s5 =	smov.u32 s24;
	s24 =	sadd.s32 $0x8, s24  }
0x102: {  	v13 =	vmul.f32 v13, v14;
	v15 =	vmul.f32 v15, v14  }
0x103: {  	v11 =	vmul.f32 v11, v14;
	v10 =	vmul.f32 v10, v14;
	v14 =	vld [tilespmem:s22+$0x70]  }
0x104: {  	[tilespmem:s22+$0x10] =	vst v15;
	v15 =	vld [tilespmem:s22+$0x40]  }
0x105: {  	[tilespmem:s22+$0x0] =	vst v11  }
0x106: {  	[tilespmem:s22+$0x20] =	vst v13  }
0x107: {  	[tilespmem:s22+$0x30] =	vst v10;
	v10 =	vld [tilespmem:s22+$0x60]  }
0x108: {  	v11 =	vld.idx.msk [tilespmem:v12+s12+$0x0], $0xffff  }
0x109: {  	v12 =	vld [tilespmem:s22+$0x50]  }
0x10a: {  	s10 =	sadd.s32 $0xFFFFFFFF, s23  }
0x10b: {  	v13 =	vmov s10  }
0x10c: {  	v13 =	vshrl.u32 v13, $0x3  }
0x10d: {  	v13 =	vshll.u32 v13, v1  }
0x10e: {  	v13 =	vadd.s32 v13, v8;
	v10 =	vmul.f32 v10, v11;
	v12 =	vmul.f32 v12, v11  }
0x10f: {  	v13 =	vbroadcast v13, $0x0;
	v15 =	vmul.f32 v15, v11  }
0x110: {  	[tilespmem:s22+$0x60] =	vst v10;
	v10 =	vmul.f32 v14, v11  }
0x111: {  	[tilespmem:s22+$0x50] =	vst v12;
	v11 =	vld [tilespmem:s22+$0xB0]  }
0x112: {  	[tilespmem:s22+$0x40] =	vst v15  }
0x113: {  	s10 =	sadd.s32 $0xFFFFFFF9, s5  }
0x114: {  	v12 =	vmov s10;
	[tilespmem:s22+$0x70] =	vst v10;
	v10 =	vld [tilespmem:s22+$0x90]  }
0x115: {  	v12 =	vshrl.u32 v12, $0x3;
	v13 =	vld.idx.msk [tilespmem:v13+s12+$0x0], $0xffff  }
0x116: {  	v12 =	vshll.u32 v12, v1;
	v14 =	vld [tilespmem:s22+$0xA0]  }
0x117: {  	v12 =	vadd.s32 v2, v12;
	v15 =	vld [tilespmem:s22+$0x80]  }
0x118: {  	v16 =	vmov s23;
	s23 =	smov.u32 s5;
	v12 =	vbroadcast v12, $0x0  }
0x119: {  	v16 =	vshrl.u32 v16, $0x3  }
0x11a: {  	v16 =	vshll.u32 v16, v1  }
0x11b: {  	v16 =	vadd.s32 v16, v6;
	v11 =	vmul.f32 v11, v13;
	v14 =	vmul.f32 v14, v13  }
0x11c: {  	v16 =	vbroadcast v16, $0x0;
	v15 =	vmul.f32 v15, v13;
	v17 =	vld [tilespmem:s22+$0xD0]  }
0x11d: {  	v10 =	vmul.f32 v10, v13;
	v18 =	vld [tilespmem:s20+$0xFFFFFF30];
	[tilespmem:s22+$0xA0] =	vst v14  }
0x11e: {  	[tilespmem:s22+$0x80] =	vst v15  }
0x11f: {  	s5 =	sadd.s32 $0xFFFFFFFA, s23;
	[tilespmem:s22+$0x90] =	vst v10;
	v10 =	vld [tilespmem:s22+$0xC0]  }
0x120: {  	v13 =	vmov s5;
	[tilespmem:s22+$0xB0] =	vst v11  }
0x121: {  	v11 =	vshrl.u32 v13, $0x3;
	v13 =	vld [tilespmem:s22+$0xF0]  }
0x122: {  	v11 =	vshll.u32 v11, v1;
	v14 =	vld.idx.msk [tilespmem:v16+s12+$0x0], $0xffff  }
0x123: {  	v11 =	vadd.s32 v11, v3  }
0x124: {  	v11 =	vbroadcast v11, $0x0;
	v15 =	vld [tilespmem:s22+$0xE0];
	_ =	sdelay $0x3  }
0x125: {  	v10 =	vmul.f32 v10, v14;
	v16 =	vmul.f32 v17, v14  }
0x126: {  	v13 =	vmul.f32 v13, v14;
	v15 =	vmul.f32 v15, v14  }
0x127: {  	v14 =	vld [tilespmem:s20+$0xFFFFFF20];
	[tilespmem:s22+$0xC0] =	vst v10  }
0x128: {  	[tilespmem:s22+$0xE0] =	vst v15  }
0x129: {  	[tilespmem:s22+$0xF0] =	vst v13  }
0x12a: {  	[tilespmem:s22+$0xD0] =	vst v16;
	s22 =	smov.u32 s20  }
0x12b: {  	v10 =	vld.idx.msk [tilespmem:v12+s12+$0x0], $0xffff  }
0x12c: {  	v12 =	vld [tilespmem:s20+$0xFFFFFF10]  }
0x12d: {  	v13 =	vld [tilespmem:s20+$0xFFFFFF00];
	_ =	sdelay $0x1  }
0x12e: {  	v15 =	vld [tilespmem:s20+$0xFFFFFF50];
	_ =	sdelay $0x1  }
0x12f: {  	s5 =	sadd.s32 $0xFFFFFFFB, s23;
	v14 =	vmul.f32 v14, v10;
	v12 =	vmul.f32 v12, v10  }
0x130: {  	v16 =	vmov s5;
	v13 =	vmul.f32 v13, v10;
	v10 =	vmul.f32 v18, v10  }
0x131: {  	v16 =	vshrl.u32 v16, $0x3;
	[tilespmem:s20+$0xFFFFFF10] =	vst v12;
	v12 =	vld [tilespmem:s20+$0xFFFFFF70]  }
0x132: {  	[tilespmem:s20+$0xFFFFFF30] =	vst v10;
	v10 =	vshll.u32 v16, v1  }
0x133: {  	[tilespmem:s20+$0xFFFFFF00] =	vst v13;
	v10 =	vadd.s32 v10, v4  }
0x134: {  	[tilespmem:s20+$0xFFFFFF20] =	vst v14  }
0x135: {  	v10 =	vbroadcast v10, $0x0;
	v11 =	vld.idx.msk [tilespmem:v11+s12+$0x0], $0xffff  }
0x136: {  	v13 =	vld [tilespmem:s20+$0xFFFFFF40]  }
0x137: {  	v14 =	vld [tilespmem:s20+$0xFFFFFF60];
	_ =	sdelay $0x2  }
0x138: {  	v16 =	vld [tilespmem:s20+$0xFFFFFF90]  }
0x139: {  	v15 =	vmul.f32 v15, v11;
	v13 =	vmul.f32 v13, v11  }
0x13a: {  	s5 =	sadd.s32 $0xFFFFFFFC, s23;
	v14 =	vmul.f32 v14, v11;
	v11 =	vmul.f32 v12, v11;
	v12 =	vld [tilespmem:s20+$0xFFFFFF80]  }
0x13b: {  	[tilespmem:s20+$0xFFFFFF50] =	vst v15;
	v15 =	vmov s5  }
0x13c: {  	[tilespmem:s20+$0xFFFFFF70] =	vst v11;
	v11 =	vshrl.u32 v15, $0x3  }
0x13d: {  	[tilespmem:s20+$0xFFFFFF60] =	vst v14;
	v11 =	vshll.u32 v11, v1  }
0x13e: {  	[tilespmem:s20+$0xFFFFFF40] =	vst v13;
	v13 =	vld [tilespmem:s20+$0xFFFFFFA0];
	v11 =	vadd.s32 v11, v5  }
0x13f: {  	v10 =	vld.idx.msk [tilespmem:v10+s12+$0x0], $0xffff  }
0x140: {  	v14 =	vld [tilespmem:s20+$0xFFFFFFB0]  }
0x141: {  	v11 =	vbroadcast v11, $0x0;
	_ =	sdelay $0x3  }
0x142: {  	v12 =	vmul.f32 v12, v10;
	v14 =	vmul.f32 v14, v10  }
0x143: {  	v15 =	vmul.f32 v16, v10;
	v10 =	vmul.f32 v13, v10  }
0x144: {  	[tilespmem:s20+$0xFFFFFF80] =	vst v12;
	v12 =	vld [tilespmem:s20+$0xFFFFFFF0]  }
0x145: {  	[tilespmem:s20+$0xFFFFFFB0] =	vst v14;
	v13 =	vld [tilespmem:s20+$0xFFFFFFD0]  }
0x146: {  	[tilespmem:s20+$0xFFFFFF90] =	vst v15  }
0x147: {  	[tilespmem:s20+$0xFFFFFFA0] =	vst v10;
	v10 =	vld [tilespmem:s20+$0xFFFFFFC0]  }
0x148: {  	s5 =	sadd.s32 $0xFFFFFFFD, s23;
	v14 =	vld [tilespmem:s20+$0xFFFFFFE0]  }
0x149: {  	v15 =	vmov s5;
	v11 =	vld.idx.msk [tilespmem:v11+s12+$0x0], $0xffff  }
0x14a: {  	v15 =	vshrl.u32 v15, $0x3  }
0x14b: {  	v15 =	vshll.u32 v15, v1  }
0x14c: {  	v15 =	vadd.s32 v15, v7  }
0x14d: {  	v15 =	vbroadcast v15, $0x0;
	_ =	sdelay $0x1  }
0x14e: {  	v16 =	vmul.f32 v10, v11;
	v10 =	vmul.f32 v12, v11  }
0x14f: {  	v12 =	vmul.f32 v13, v11;
	v11 =	vmul.f32 v14, v11  }
0x150: {  	[tilespmem:s20+$0xFFFFFFF0] =	vst v10;
	v10 =	vld [tilespmem:s20+$0x30]  }
0x151: {  	[tilespmem:s20+$0xFFFFFFE0] =	vst v11;
	v11 =	vld [tilespmem:s20+$0x0]  }
0x152: {  	[tilespmem:s20+$0xFFFFFFD0] =	vst v12  }
0x153: {  	s5 =	sadd.s32 $0xFFFFFFFE, s23;
	[tilespmem:s20+$0xFFFFFFC0] =	vst v16  }
0x154: {  	v12 =	vmov s5;
	v13 =	vld [tilespmem:s20+$0x20]  }
.Ltmp2:
0x155: {  	v12 =	vshrl.u32 v12, $0x3;
	v14 =	vld.idx.msk [tilespmem:v15+s12+$0x0], $0xffff;
	(pc) =	sbr.rel @p0 .LBB2_7-.Ltmp2, $3  }
0x156: {  	v12 =	vshll.u32 v12, v1;
	v15 =	vld [tilespmem:s20+$0x10]  }
0x157: {  	v12 =	vadd.s32 v12, v9;
	_ =	sdelay $0x1  }
0x158: {  	v12 =	vbroadcast v12, $0x0  }
0x159: {  	v3 =	vmul.f32 v11, v14  }
0x15a: {  	v2 =	vmul.f32 v15, v14  }
0x15b: {  	v4 =	vmul.f32 v13, v14;
	[tilespmem:s22+$0x0] =	vst v3  }
0x15c: {  	[tilespmem:s22+$0x10] =	vst v2;
	v2 =	vmul.f32 v10, v14  }
0x15d: {  	[tilespmem:s22+$0x20] =	vst v4  }
0x15e: {  	[tilespmem:s22+$0x30] =	vst v2;
	v2 =	vld [tilespmem:s22+$0x60]  }
0x15f: {  	s5 =	sadd.s32 $0xFFFFFFFF, s23;
	v3 =	vld.idx.msk [tilespmem:v12+s12+$0x0], $0xffff  }
0x160: {  	v56 =	vld [tilespmem:s22+$0x50];
	v7 =	vmov s5  }
0x161: {  	v5 =	vld [tilespmem:s22+$0x40];
	v7 =	vshrl.u32 v7, $0x3  }
0x162: {  	v9 =	vld [tilespmem:s22+$0x70];
	v7 =	vshll.u32 v7, v1  }
0x163: {  	v7 =	vadd.s32 v7, v8  }
0x164: {  	v7 =	vbroadcast v7, $0x0;
	v2 =	vmul.f32 v2, v3  }
0x165: {  	v4 =	vmul.f32 v56, v3  }
0x166: {  	v5 =	vmul.f32 v5, v3;
	[tilespmem:s22+$0x60] =	vst v2  }
0x167: {  	v2 =	vmul.f32 v9, v3;
	[tilespmem:s22+$0x50] =	vst v4  }
0x168: {  	[tilespmem:s22+$0x40] =	vst v5  }
0x169: {  	v3 =	vld [tilespmem:s22+$0xA0];
	[tilespmem:s22+$0x70] =	vst v2  }
0x16a: {  	v2 =	vld.idx.msk [tilespmem:v7+s12+$0x0], $0xffff  }
0x16b: {  	v57 =	vld [tilespmem:s22+$0x80];
	v59 =	vmov s23  }
0x16c: {  	v58 =	vld [tilespmem:s22+$0x90];
	v7 =	vshrl.u32 v59, $0x3  }
0x16d: {  	v60 =	vld [tilespmem:s22+$0xB0];
	v7 =	vshll.u32 v7, v1  }
0x16e: {  	v6 =	vadd.s32 v7, v6  }
0x16f: {  	v6 =	vbroadcast v6, $0x0;
	v3 =	vmul.f32 v3, v2  }
0x170: {  	v4 =	vmul.f32 v57, v2  }
0x171: {  	v5 =	vmul.f32 v58, v2;
	[tilespmem:s22+$0xA0] =	vst v3  }
0x172: {  	v2 =	vmul.f32 v60, v2;
	[tilespmem:s22+$0x80] =	vst v4  }
0x173: {  	[tilespmem:s22+$0x90] =	vst v5  }
0x174: {  	v3 =	vld [tilespmem:s22+$0xC0];
	[tilespmem:s22+$0xB0] =	vst v2  }
0x175: {  	v2 =	vld.idx.msk [tilespmem:v6+s12+$0x0], $0xffff  }
0x176: {  	v62 =	vld [tilespmem:s22+$0xE0]  }
0x177: {  	v63 =	vld [tilespmem:s22+$0xF0]  }
0x178: {  	v61 =	vld [tilespmem:s22+$0xD0];
	_ =	sdelay $0x1  }
0x179: {  	s24 =	smul.u32 $0x140, s19;
	s19 =	sadd.s32 $0x1, s19;
	v3 =	vmul.f32 v3, v2  }
0x17a: {  	p0 =	sne.s32 s19, $0xFA;
	v4 =	vmul.f32 v62, v2  }
.Ltmp3:
0x17b: {  	v5 =	vmul.f32 v63, v2;
	[tilespmem:s22+$0xC0] =	vst v3;
	(pc) =	sbr.rel @p0 .LBB2_6-.Ltmp3, $4  }
0x17c: {  	v2 =	vmul.f32 v61, v2;
	[tilespmem:s22+$0xE0] =	vst v4  }
0x17d: {  	s5 =	sshra.s32 s24, $0x2;
	[tilespmem:s22+$0xF0] =	vst v5  }
0x17e: {  	s18 =	sadd.s32 $0x1, s18;
	s5 =	sadd.s32 $0xEA60, s5;
	[tilespmem:s22+$0xD0] =	vst v2  }
0x17f: {  	[spmem:s3] =	stream.indirect.scatter.add.f32 [tilespmem:s21], [sflag:$0x2], $0x40, s5, s14, $0xb8;
	[tilespmem:$0x1DD20] =	vst v63  }
0x180: {  	_ =	swait.ge [sflag:s16], $0x1400  }
0x181: {  	[sflag:s16] =	ssyncset.done $0x0  }
0x182: {  	s5 =	stileid.u32;
	s10 =	sshrl.u32 s8, $0x3;
	[sflag:s16] =	ssyncadd.s32 $0xFFFFEC00  }
0x183: {  	s19 =	simm.s32 $0x10;
	s5 =	sshll.u32 s5, $0x6;
	[bflag:$0x0] =	sbarrier.arrive $0xFFFF  }
0x184: {  	s20 =	simm.s32 $0x8;
	s5 =	sor.u32 $0x1C03, s5;
	s18 =	rddreg [dreg:$0x17]  }
0x185: {  	[hbm:s18@s19], [sflag:s5] =	dma.strided [spmem:s10@s20], $0x1388, s15, $0x8   }
0x186: {  	_ =	swait.ge [sflag:s11], $0x1388  }
0x187: {  	s17 =	sadd.s32 $0x1, s17;
	s24 =	rddreg [dreg:$0x18]  }
0x188: {  	p0 =	sne.s32 s17, s24  }
.Ltmp4:
0x189: {  	_ = 	snop;
	(pc) =	sbr.rel @p0 .LBB2_1-.Ltmp4, $3  }
0x18a: {  	_ =	sdelay $0x1  }
0x18b: {  	[sflag:s11] =	ssyncset.done $0x0  }
0x18c: {  	s20 =	simm.s32 $0x9C40;
	[sflag:s11] =	ssyncadd.s32 $0xFFFFEC78  }
0x18d: {  	_ =	sfence.sel $0x180000  }
0x18e: {  	[bflag:$0x0] =	sbarrier.arrive $0xFFFF  }
0x18f: {  	_ =	strace $0x90000047  }
0x190: {  	s0 =	stileid.u32;
	[bflag:$0x2] =	sbarrier.arrive $0xFFFF  }
0x191: {  	p0 =	sne.s32 s0, $0x0;
	s0 =	rddreg [dreg:$0x5]  }
0x192: {  	s0 =	sadd.s32 @!p0 $0x100000, s0  }
0x193: {  	[sflag:s0] =	ssyncadd.tile.s32 @!p0 $0x1;
	_ =	shalt  }
.Lfunc_end2:
_tile_overlayer_lowered:
.L_overlay_start_2:
0x194: {  	(tag) =	ssettag $0x2  }
0x195: {  	s0 =	rddreg [dreg:$0x0];
	s2 =	stileid.u32  }
0x196: {  	s1 =	rddreg [dreg:$0x1];
	p0 =	sne.s32 s2, $0x0  }
0x197: {  	s3 =	rddreg [dreg:$0x2];
	[bflag:$0x3] =	sbarrier.arrive $0xFFFF;
	s2 =	simm.s32 @!p0 $0x1C03  }
0x198: {  	[timem:s3], [sflag:s2] =	dma.local @!p0 [hbm:s0], s1  }
0x199: {  	s0 =	simm.s32 @!p0 $0x3  }
0x19a: {  	_ =	swait.ge @!p0 [sflag:s0], s1  }
0x19b: {  	s1 =	ssub.s32 @!p0 $0x0, s1;
	[sflag:s0] =	ssyncset.done @!p0 $0x0  }
0x19c: {  	[sflag:s0] =	ssyncadd.s32 @!p0 s1  }
0x19d: {  	[bflag:$0x3] =	sbarrier.arrive $0xFFFF  }
0x19e: {  	_ =	shalt  }

</sc_bundles>
